<compile_context>
chip_gen: v7x
topology: tpu7x:2x2x1
jax: 0.10.2.dev20260603
libtpu: 0.0.44.dev20260713+nightly
codegen_flags: <defaults>
</compile_context>

<pallas_src>
import jax
import jax.numpy as jnp
from jax import lax
from jax.experimental import pallas as pl
from jax.experimental.pallas import tpu as pltpu
from jax.experimental.pallas import tpu_sc as plsc

N = 10000
E = 320000
D = 128
H = 128
L = 3
G = 64

NC = 2
NS = 16
NW = NC * NS
EPW = E // NW
BE = 125
BLOCKS = 80
PB = BLOCKS // 2
NA = N

WB = 624
ZR = 16


def _seg_sum_body(h_hbm, src_hbm, dst_hbm, out_hbm,
                  src_v, dst_v, rows_a, rows_b, aggr_sh, sem,
                  gsem_a, gsem_b):
    c = lax.axis_index("c")
    s = lax.axis_index("s")
    wid = c * NS + s

    pltpu.async_copy(src_hbm.at[wid], src_v, sem)
    pltpu.async_copy(dst_hbm.at[wid, pl.ds(0, PB)], dst_v, sem)

    @pl.loop(0, ZR)
    def _(i):
        @pl.loop(0, D // 16)
        def _(j):
            rows_a[i, pl.ds(j * 16, 16)] = jnp.zeros((16,), jnp.float32)

    zrow = rows_a.at[pl.ds(0, ZR)]

    @pl.loop(0, WB // ZR)
    def _(k):
        pltpu.async_copy(zrow, aggr_sh.at[pl.ds(s * WB + k * ZR, ZR)],
                         gsem_a)

    @pl.when(s == NS - 1)
    def _():
        pltpu.async_copy(zrow, aggr_sh.at[pl.ds(NS * WB, N - NS * WB)],
                         gsem_a)

    @pl.loop(0, WB // ZR)
    def _(k):
        pltpu.make_async_copy(zrow, aggr_sh.at[pl.ds(0, ZR)], gsem_a).wait()

    @pl.when(s == NS - 1)
    def _():
        pltpu.make_async_copy(zrow, aggr_sh.at[pl.ds(0, ZR)], gsem_a).wait()

    pltpu.make_async_copy(src_hbm.at[wid], src_v, sem).wait()
    pltpu.make_async_copy(dst_hbm.at[wid, pl.ds(0, PB)], dst_v, sem).wait()

    plsc.subcore_barrier()

    for p in (0, 1):
        if p == 1:
            pltpu.sync_copy(dst_hbm.at[wid, pl.ds(PB, PB)], dst_v)
        base = p * PB
        pltpu.async_copy(h_hbm.at[src_v.at[base]], rows_a, gsem_a)

        @pl.loop(0, PB, step=2)
        def _(j0, base=base):
            pltpu.make_async_copy(h_hbm.at[src_v.at[base + j0]], rows_a,
                                  gsem_a).wait()
            pltpu.async_copy(h_hbm.at[src_v.at[base + j0 + 1]], rows_b,
                             gsem_b)
            pltpu.sync_copy(rows_a, aggr_sh.at[dst_v.at[j0]], add=True)

            pltpu.make_async_copy(h_hbm.at[src_v.at[base + j0]], rows_b,
                                  gsem_b).wait()

            @pl.when(j0 + 2 < PB)
            def _():
                pltpu.async_copy(h_hbm.at[src_v.at[base + j0 + 2]], rows_a,
                                 gsem_a)

            pltpu.sync_copy(rows_b, aggr_sh.at[dst_v.at[j0 + 1]], add=True)

    plsc.subcore_barrier()

    @pl.when(s < NS - 1)
    def _():
        pltpu.sync_copy(aggr_sh.at[pl.ds(s * WB, WB)],
                        out_hbm.at[c, pl.ds(s * WB, WB)])

    @pl.when(s == NS - 1)
    def _():
        pltpu.sync_copy(aggr_sh.at[pl.ds((NS - 1) * WB, N - (NS - 1) * WB)],
                        out_hbm.at[c, pl.ds((NS - 1) * WB, N - (NS - 1) * WB)])


@jax.jit
def _sc_segment_sum(h, src, dst):
    mesh = plsc.VectorSubcoreMesh(core_axis_name="c", subcore_axis_name="s")
    k = pl.kernel(
        _seg_sum_body,
        out_type=jax.ShapeDtypeStruct((NC, N, D), jnp.float32),
        mesh=mesh,
        scratch_types=[
            pltpu.VMEM((BLOCKS, BE), jnp.int32),
            pltpu.VMEM((PB, BE), jnp.int32),
            pltpu.VMEM((BE, D), jnp.float32),
            pltpu.VMEM((BE, D), jnp.float32),
            pltpu.VMEM_SHARED((NA, D), jnp.float32),
            pltpu.SemaphoreType.DMA,
            pltpu.SemaphoreType.DMA,
            pltpu.SemaphoreType.DMA,
        ],
    )
    return k(h, src, dst)


def _mlp_body(h_ref, a_ref, eps_ref, w1_ref, b1_ref, g1_ref, be1_ref,
              w2_ref, b2_ref, go_ref, bo_ref, batch_ref, o_ref, p_ref):
    e = eps_ref[0, 0]
    z = (1.0 + e) * h_ref[...] + a_ref[0] + a_ref[1]
    t = jnp.dot(z, w1_ref[...], preferred_element_type=jnp.float32)
    t = t + b1_ref[...]
    mu = jnp.mean(t, axis=0, keepdims=True)
    var = jnp.mean((t - mu) ** 2, axis=0, keepdims=True)
    t = g1_ref[...] * (t - mu) * lax.rsqrt(var + 1e-5) + be1_ref[...]
    t = jnp.maximum(t, 0.0)
    u = jnp.dot(t, w2_ref[...], preferred_element_type=jnp.float32)
    u = u + b2_ref[...]
    mu2 = jnp.mean(u, axis=0, keepdims=True)
    var2 = jnp.mean((u - mu2) ** 2, axis=0, keepdims=True)
    u = go_ref[...] * (u - mu2) * lax.rsqrt(var2 + 1e-5) + bo_ref[...]
    hout = jnp.maximum(u, 0.0)
    o_ref[...] = hout
    gid = lax.broadcasted_iota(jnp.int32, (G, N), 0)
    onehot = jnp.where(gid == batch_ref[...], 1.0, 0.0)
    p_ref[...] = jnp.dot(onehot, hout, preferred_element_type=jnp.float32)


@jax.jit
def _tc_mlp(h, aggr, eps_i, w1, b1, g1, be1, w2, b2, go, bo, batch2d):
    return pl.pallas_call(
        _mlp_body,
        out_shape=[jax.ShapeDtypeStruct((N, H), jnp.float32),
                   jax.ShapeDtypeStruct((G, H), jnp.float32)],
    )(h, aggr, eps_i, w1, b1, g1, be1, w2, b2, go, bo, batch2d)


def kernel(x, edge_index, batch, eps, W1, b1, g1, be1, W2, b2, go, bo):
    src = edge_index[0].reshape(NW, BLOCKS, BE)
    dst = edge_index[1].reshape(NW, BLOCKS, BE)
    batch2d = batch.reshape(1, N)
    h = x
    reps = []
    pooled = []
    for i in range(L):
        aggr = _sc_segment_sum(h, src, dst)
        h, pi = _tc_mlp(h, aggr, eps[i].reshape(1, 1), W1[i],
                        b1[i].reshape(1, H), g1[i].reshape(1, H),
                        be1[i].reshape(1, H), W2[i], b2[i].reshape(1, H),
                        go[i].reshape(1, H), bo[i].reshape(1, H), batch2d)
        reps.append(h)
        pooled.append(pi)
    node_rep = jnp.concatenate(reps, axis=1)
    graph_rep = jnp.concatenate(pooled, axis=1)
    return (graph_rep, node_rep)

# --- scband reference (transcript-rebuilt; emitter-appended) ---
"""Pipeline reference for scband-encoder-18141941858832 (READ-ONLY COPY).

The authoritative reference and input builder live on the scoring server;
editing this copy changes nothing except your own understanding.
"""

import jax, jax.numpy as jnp
import numpy as np

N = 10000
E = 320000
D = 128
H = 128
L = 3
G = 64

def setup_inputs(seed: int = 0) -> dict:
    key = jax.random.key(seed)
    ks = jax.random.split(key, 8)
    x = jax.random.normal(ks[0], (N, D), dtype=jnp.float32)
    edge_index = jax.random.randint(ks[1], (2, E), 0, N, dtype=jnp.int32)
    batch = jnp.sort(jax.random.randint(ks[2], (N,), 0, G, dtype=jnp.int32))
    eps = jnp.zeros((L,), dtype=jnp.float32)
    W1 = jax.random.normal(ks[3], (L, D, H), dtype=jnp.float32) * (1.0 / np.sqrt(D))
    b1 = jnp.zeros((L, H), dtype=jnp.float32)
    g1 = jnp.ones((L, H), dtype=jnp.float32)
    be1 = jnp.zeros((L, H), dtype=jnp.float32)
    W2 = jax.random.normal(ks[4], (L, H, H), dtype=jnp.float32) * (1.0 / np.sqrt(H))
    b2 = jnp.zeros((L, H), dtype=jnp.float32)
    go = jnp.ones((L, H), dtype=jnp.float32)
    bo = jnp.zeros((L, H), dtype=jnp.float32)
    return {"x": x, "edge_index": edge_index, "batch": batch, "eps": eps,
            "W1": W1, "b1": b1, "g1": g1, "be1": be1,
            "W2": W2, "b2": b2, "go": go, "bo": bo}

def _bn(h, gamma, beta):
    mu = jnp.mean(h, axis=0)
    var = jnp.var(h, axis=0)
    return gamma * (h - mu) * jax.lax.rsqrt(var + 1e-5) + beta

def reference(x, edge_index, batch, eps, W1, b1, g1, be1, W2, b2, go, bo):
    src = edge_index[0]
    dst = edge_index[1]
    h = x
    reps = []
    for i in range(L):
        aggr = jax.ops.segment_sum(h[src], dst, num_segments=N)
        z = (1.0 + eps[i]) * h + aggr
        z = z @ W1[i] + b1[i]
        z = jax.nn.relu(_bn(z, g1[i], be1[i]))
        z = z @ W2[i] + b2[i]
        h = jax.nn.relu(_bn(z, go[i], bo[i]))
        reps.append(h)
    pooled = [jax.ops.segment_sum(r, batch, num_segments=G) for r in reps]
    node_rep = jnp.concatenate(reps, axis=1)
    graph_rep = jnp.concatenate(pooled, axis=1)
    return (graph_rep, node_rep)

if __name__ == "__main__":
    import jax
    _d = setup_inputs()
    print(jax.jit(kernel)(*tuple(_d.values())))

</pallas_src>

<mosaic_0001>
#map = affine_map<(d0, d1) -> (0, 0)>
#map1 = affine_map<(d0, d1) -> (0, 0, 0)>
module attributes {stable_mosaic.version = 14 : i64} {
  func.func @_seg_sum_body(%arg0: i32, %arg1: i32, %arg2: memref<10000x128xf32, #tpu.memory_space<hbm>>, %arg3: memref<32x80x125xi32, #tpu.memory_space<hbm>>, %arg4: memref<32x80x125xi32, #tpu.memory_space<hbm>>, %arg5: memref<2x10000x128xf32, #tpu.memory_space<hbm>>, %arg6: memref<80x125xi32, #tpu.memory_space<vmem>>, %arg7: memref<40x125xi32, #tpu.memory_space<vmem>>, %arg8: memref<125x128xf32, #tpu.memory_space<vmem>>, %arg9: memref<125x128xf32, #tpu.memory_space<vmem>>, %arg10: memref<10000x128xf32, #tpu.memory_space<vmem_shared>>, %arg11: memref<!tpu.dma_semaphore, #tpu.memory_space<semaphore_mem>>, %arg12: memref<!tpu.dma_semaphore, #tpu.memory_space<semaphore_mem>>, %arg13: memref<!tpu.dma_semaphore, #tpu.memory_space<semaphore_mem>>) attributes {dimension_semantics = [#tpu.dimension_semantics<core_parallel>, #tpu.dimension_semantics<subcore_parallel>], iteration_bounds = array<i64: 2, 16>, scalar_prefetch = 0 : i64, scratch_operands = 8 : i64, tpu.core_type = #tpu.core_type<sc_vector_subcore>, window_params = [{transform_indices = #map}, {transform_indices = #map1}, {transform_indices = #map1}, {transform_indices = #map1}]} {
    %mul3A = arith.constant 16 : i32
    %mul3A_0 = arith.muli %arg0, %mul3A : i32
    %add3A = arith.addi %mul3A_0, %arg1 : i32
    %dma_start3A = arith.constant 0 : i32
    %dma_start3A_1 = arith.constant 0 : i32
    %dma_start3A_2 = tpu.memref_slice %arg3[%add3A, %dma_start3A, %dma_start3A_1] : memref<32x80x125xi32, #tpu.memory_space<hbm>> -> memref<1x80x125xi32, #tpu.memory_space<hbm>>
    %dma_start3A_3 = tpu.memref_squeeze %dma_start3A_2 : memref<1x80x125xi32, #tpu.memory_space<hbm>> -> memref<80x125xi32, #tpu.memory_space<hbm>>
    %dma_start3A_4 = arith.constant 0 : i32
    %dma_start3A_5 = arith.constant 0 : i32
    %dma_start3A_6 = tpu.memref_slice %arg3[%add3A, %dma_start3A_4, %dma_start3A_5] : memref<32x80x125xi32, #tpu.memory_space<hbm>> -> memref<1x80x125xi32, #tpu.memory_space<hbm>>
    %dma_start3A_7 = tpu.memref_squeeze %dma_start3A_6 : memref<1x80x125xi32, #tpu.memory_space<hbm>> -> memref<80x125xi32, #tpu.memory_space<hbm>>
    tpu.enqueue_dma source(%dma_start3A_7 : memref<80x125xi32, #tpu.memory_space<hbm>>) target(%arg6 : memref<80x125xi32, #tpu.memory_space<vmem>>) target_semaphore(%arg11 : memref<!tpu.dma_semaphore, #tpu.memory_space<semaphore_mem>>)
    %dma_start3A_8 = arith.constant 0 : i32
    %dma_start3A_9 = arith.constant 0 : i32
    %dma_start3A_10 = tpu.memref_slice %arg4[%add3A, %dma_start3A_8, %dma_start3A_9] : memref<32x80x125xi32, #tpu.memory_space<hbm>> -> memref<1x40x125xi32, #tpu.memory_space<hbm>>
    %dma_start3A_11 = tpu.memref_squeeze %dma_start3A_10 : memref<1x40x125xi32, #tpu.memory_space<hbm>> -> memref<40x125xi32, #tpu.memory_space<hbm>>
    %dma_start3A_12 = arith.constant 0 : i32
    %dma_start3A_13 = arith.constant 0 : i32
    %dma_start3A_14 = tpu.memref_slice %arg4[%add3A, %dma_start3A_12, %dma_start3A_13] : memref<32x80x125xi32, #tpu.memory_space<hbm>> -> memref<1x40x125xi32, #tpu.memory_space<hbm>>
    %dma_start3A_15 = tpu.memref_squeeze %dma_start3A_14 : memref<1x40x125xi32, #tpu.memory_space<hbm>> -> memref<40x125xi32, #tpu.memory_space<hbm>>
    tpu.enqueue_dma source(%dma_start3A_15 : memref<40x125xi32, #tpu.memory_space<hbm>>) target(%arg7 : memref<40x125xi32, #tpu.memory_space<vmem>>) target_semaphore(%arg11 : memref<!tpu.dma_semaphore, #tpu.memory_space<semaphore_mem>>)
    %scan3A = arith.constant 0 : i32
    %scan3A_16 = arith.constant 16 : i32
    %scan3A_17 = arith.addi %scan3A, %scan3A_16 : i32
    %scan3A_18 = arith.constant 1 : i32
    scf.for %scan3A_86 = %scan3A to %scan3A_17 step %scan3A_18  : i32 {
      %mul3A_87 = arith.constant 1 : i32
      %mul3A_88 = arith.muli %scan3A_86, %mul3A_87 : i32
      %add3A_89 = arith.constant 0 : i32
      %add3A_90 = arith.addi %add3A_89, %mul3A_88 : i32
      %scan3A_91 = arith.constant 0 : i32
      %scan3A_92 = arith.constant 8 : i32
      %scan3A_93 = arith.addi %scan3A_91, %scan3A_92 : i32
      %scan3A_94 = arith.constant 1 : i32
      scf.for %scan3A_96 = %scan3A_91 to %scan3A_93 step %scan3A_94  : i32 {
        %mul3A_97 = arith.constant 1 : i32
        %mul3A_98 = arith.muli %scan3A_96, %mul3A_97 : i32
        %add3A_99 = arith.constant 0 : i32
        %add3A_100 = arith.addi %add3A_99, %mul3A_98 : i32
        %broadcast_in_dim3A = arith.constant 0.000000e+00 : f32
        %broadcast_in_dim3A_101 = vector.broadcast %broadcast_in_dim3A : f32 to vector<16xf32>
        %mul3A_102 = arith.constant 16 : i32
        %mul3A_103 = arith.muli %add3A_100, %mul3A_102 : i32
        %swap3A = arith.index_cast %add3A_90 : i32 to index
        %swap3A_104 = arith.index_cast %mul3A_103 : i32 to index
        %swap3A_105 = tpu.vector_load %arg8[%swap3A, %swap3A_104] {strides = array<i32>} : memref<125x128xf32, #tpu.memory_space<vmem>>, vector<1x16xf32>,
        %swap3A_106 = vector.shape_cast %swap3A_105 : vector<1x16xf32> to vector<16xf32>
        %swap3A_107 = vector.shape_cast %broadcast_in_dim3A_101 : vector<16xf32> to vector<1x16xf32>
        tpu.vector_store %arg8[%swap3A, %swap3A_104], %swap3A_107 {strides = array<i32>} : memref<125x128xf32, #tpu.memory_space<vmem>>, vector<1x16xf32>,
      }
      %scan3A_95 = arith.constant 8 : i32
    }
    %scan3A_19 = arith.constant 16 : i32
    %scan3A_20 = arith.constant 0 : i32
    %scan3A_21 = arith.constant 39 : i32
    %scan3A_22 = arith.addi %scan3A_20, %scan3A_21 : i32
    %scan3A_23 = arith.constant 1 : i32
    scf.for %scan3A_86 = %scan3A_20 to %scan3A_22 step %scan3A_23  : i32 {
      %mul3A_87 = arith.constant 1 : i32
      %mul3A_88 = arith.muli %scan3A_86, %mul3A_87 : i32
      %add3A_89 = arith.constant 0 : i32
      %add3A_90 = arith.addi %add3A_89, %mul3A_88 : i32
      %mul3A_91 = arith.constant 624 : i32
      %mul3A_92 = arith.muli %arg1, %mul3A_91 : i32
      %mul3A_93 = arith.constant 16 : i32
      %mul3A_94 = arith.muli %add3A_90, %mul3A_93 : i32
      %add3A_95 = arith.addi %mul3A_92, %mul3A_94 : i32
      %dma_start3A_96 = arith.constant 0 : i32
      %dma_start3A_97 = arith.constant 0 : i32
      %dma_start3A_98 = tpu.memref_slice %arg8[%dma_start3A_96, %dma_start3A_97] : memref<125x128xf32, #tpu.memory_space<vmem>> -> memref<16x128xf32, #tpu.memory_space<vmem>>
      %dma_start3A_99 = arith.constant 0 : i32
      %dma_start3A_100 = tpu.memref_slice %arg10[%add3A_95, %dma_start3A_99] : memref<10000x128xf32, #tpu.memory_space<vmem_shared>> -> memref<16x128xf32, #tpu.memory_space<vmem_shared>>
      %dma_start3A_101 = arith.constant 0 : i32
      %dma_start3A_102 = tpu.memref_slice %arg10[%add3A_95, %dma_start3A_101] : memref<10000x128xf32, #tpu.memory_space<vmem_shared>> -> memref<16x128xf32, #tpu.memory_space<vmem_shared>>
      %dma_start3A_103 = arith.constant 0 : i32
      %dma_start3A_104 = arith.constant 0 : i32
      %dma_start3A_105 = tpu.memref_slice %arg8[%dma_start3A_103, %dma_start3A_104] : memref<125x128xf32, #tpu.memory_space<vmem>> -> memref<16x128xf32, #tpu.memory_space<vmem>>
      tpu.enqueue_dma source(%dma_start3A_105 : memref<16x128xf32, #tpu.memory_space<vmem>>) target(%dma_start3A_102 : memref<16x128xf32, #tpu.memory_space<vmem_shared>>) target_semaphore(%arg12 : memref<!tpu.dma_semaphore, #tpu.memory_space<semaphore_mem>>)
    }
    %scan3A_24 = arith.constant 39 : i32
    %eq3A = arith.constant 15 : i32
    %eq3A_25 = arith.cmpi eq, %arg1, %eq3A : i32
    %convert_element_type3A = arith.extui %eq3A_25 : i1 to i32
    %cond3A = arith.constant 0 : i32
    %cond3A_26 = arith.cmpi ne, %convert_element_type3A, %cond3A : i32
    scf.if %cond3A_26 {
      %dma_start3A_86 = arith.constant 0 : i32
      %dma_start3A_87 = arith.constant 0 : i32
      %dma_start3A_88 = tpu.memref_slice %arg8[%dma_start3A_86, %dma_start3A_87] : memref<125x128xf32, #tpu.memory_space<vmem>> -> memref<16x128xf32, #tpu.memory_space<vmem>>
      %dma_start3A_89 = arith.constant 9984 : i32
      %dma_start3A_90 = arith.constant 0 : i32
      %dma_start3A_91 = tpu.memref_slice %arg10[%dma_start3A_89, %dma_start3A_90] : memref<10000x128xf32, #tpu.memory_space<vmem_shared>> -> memref<16x128xf32, #tpu.memory_space<vmem_shared>>
      %dma_start3A_92 = arith.constant 9984 : i32
      %dma_start3A_93 = arith.constant 0 : i32
      %dma_start3A_94 = tpu.memref_slice %arg10[%dma_start3A_92, %dma_start3A_93] : memref<10000x128xf32, #tpu.memory_space<vmem_shared>> -> memref<16x128xf32, #tpu.memory_space<vmem_shared>>
      %dma_start3A_95 = arith.constant 0 : i32
      %dma_start3A_96 = arith.constant 0 : i32
      %dma_start3A_97 = tpu.memref_slice %arg8[%dma_start3A_95, %dma_start3A_96] : memref<125x128xf32, #tpu.memory_space<vmem>> -> memref<16x128xf32, #tpu.memory_space<vmem>>
      tpu.enqueue_dma source(%dma_start3A_97 : memref<16x128xf32, #tpu.memory_space<vmem>>) target(%dma_start3A_94 : memref<16x128xf32, #tpu.memory_space<vmem_shared>>) target_semaphore(%arg12 : memref<!tpu.dma_semaphore, #tpu.memory_space<semaphore_mem>>)
    } else {
    }
    %scan3A_27 = arith.constant 0 : i32
    %scan3A_28 = arith.constant 39 : i32
    %scan3A_29 = arith.addi %scan3A_27, %scan3A_28 : i32
    %scan3A_30 = arith.constant 1 : i32
    scf.for %scan3A_86 = %scan3A_27 to %scan3A_29 step %scan3A_30  : i32 {
      %mul3A_87 = arith.constant 1 : i32
      %mul3A_88 = arith.muli %scan3A_86, %mul3A_87 : i32
      %add3A_89 = arith.constant 0 : i32
      %add3A_90 = arith.addi %add3A_89, %mul3A_88 : i32
      %dma_wait3A_91 = arith.constant 0 : i32
      %dma_wait3A_92 = arith.constant 0 : i32
      %dma_wait3A_93 = tpu.memref_slice %arg8[%dma_wait3A_91, %dma_wait3A_92] : memref<125x128xf32, #tpu.memory_space<vmem>> -> memref<16x128xf32, #tpu.memory_space<vmem>>
      %dma_wait3A_94 = arith.constant 0 : i32
      %dma_wait3A_95 = arith.constant 0 : i32
      %dma_wait3A_96 = tpu.memref_slice %arg10[%dma_wait3A_94, %dma_wait3A_95] : memref<10000x128xf32, #tpu.memory_space<vmem_shared>> -> memref<16x128xf32, #tpu.memory_space<vmem_shared>>
      %dma_wait3A_97 = arith.constant 0 : i32
      %dma_wait3A_98 = arith.constant 0 : i32
      %dma_wait3A_99 = tpu.memref_slice %arg10[%dma_wait3A_97, %dma_wait3A_98] : memref<10000x128xf32, #tpu.memory_space<vmem_shared>> -> memref<16x128xf32, #tpu.memory_space<vmem_shared>>
      %dma_wait3A_100 = arith.constant 0 : i32
      %dma_wait3A_101 = arith.constant 0 : i32
      %dma_wait3A_102 = tpu.memref_slice %arg8[%dma_wait3A_100, %dma_wait3A_101] : memref<125x128xf32, #tpu.memory_space<vmem>> -> memref<16x128xf32, #tpu.memory_space<vmem>>
      tpu.wait_dma2 semaphore(%arg12 : memref<!tpu.dma_semaphore, #tpu.memory_space<semaphore_mem>>) src(%dma_wait3A_102 : memref<16x128xf32, #tpu.memory_space<vmem>>) dst(%dma_wait3A_99 : memref<16x128xf32, #tpu.memory_space<vmem_shared>>)
    }
    %scan3A_31 = arith.constant 39 : i32
    %eq3A_32 = arith.constant 15 : i32
    %eq3A_33 = arith.cmpi eq, %arg1, %eq3A_32 : i32
    %convert_element_type3A_34 = arith.extui %eq3A_33 : i1 to i32
    %cond3A_35 = arith.constant 0 : i32
    %cond3A_36 = arith.cmpi ne, %convert_element_type3A_34, %cond3A_35 : i32
    scf.if %cond3A_36 {
      %dma_wait3A_86 = arith.constant 0 : i32
      %dma_wait3A_87 = arith.constant 0 : i32
      %dma_wait3A_88 = tpu.memref_slice %arg8[%dma_wait3A_86, %dma_wait3A_87] : memref<125x128xf32, #tpu.memory_space<vmem>> -> memref<16x128xf32, #tpu.memory_space<vmem>>
      %dma_wait3A_89 = arith.constant 0 : i32
      %dma_wait3A_90 = arith.constant 0 : i32
      %dma_wait3A_91 = tpu.memref_slice %arg10[%dma_wait3A_89, %dma_wait3A_90] : memref<10000x128xf32, #tpu.memory_space<vmem_shared>> -> memref<16x128xf32, #tpu.memory_space<vmem_shared>>
      %dma_wait3A_92 = arith.constant 0 : i32
      %dma_wait3A_93 = arith.constant 0 : i32
      %dma_wait3A_94 = tpu.memref_slice %arg10[%dma_wait3A_92, %dma_wait3A_93] : memref<10000x128xf32, #tpu.memory_space<vmem_shared>> -> memref<16x128xf32, #tpu.memory_space<vmem_shared>>
      %dma_wait3A_95 = arith.constant 0 : i32
      %dma_wait3A_96 = arith.constant 0 : i32
      %dma_wait3A_97 = tpu.memref_slice %arg8[%dma_wait3A_95, %dma_wait3A_96] : memref<125x128xf32, #tpu.memory_space<vmem>> -> memref<16x128xf32, #tpu.memory_space<vmem>>
      tpu.wait_dma2 semaphore(%arg12 : memref<!tpu.dma_semaphore, #tpu.memory_space<semaphore_mem>>) src(%dma_wait3A_97 : memref<16x128xf32, #tpu.memory_space<vmem>>) dst(%dma_wait3A_94 : memref<16x128xf32, #tpu.memory_space<vmem_shared>>)
    } else {
    }
    %dma_wait3A = arith.constant 0 : i32
    %dma_wait3A_37 = arith.constant 0 : i32
    %dma_wait3A_38 = tpu.memref_slice %arg3[%add3A, %dma_wait3A, %dma_wait3A_37] : memref<32x80x125xi32, #tpu.memory_space<hbm>> -> memref<1x80x125xi32, #tpu.memory_space<hbm>>
    %dma_wait3A_39 = tpu.memref_squeeze %dma_wait3A_38 : memref<1x80x125xi32, #tpu.memory_space<hbm>> -> memref<80x125xi32, #tpu.memory_space<hbm>>
    %dma_wait3A_40 = arith.constant 0 : i32
    %dma_wait3A_41 = arith.constant 0 : i32
    %dma_wait3A_42 = tpu.memref_slice %arg3[%add3A, %dma_wait3A_40, %dma_wait3A_41] : memref<32x80x125xi32, #tpu.memory_space<hbm>> -> memref<1x80x125xi32, #tpu.memory_space<hbm>>
    %dma_wait3A_43 = tpu.memref_squeeze %dma_wait3A_42 : memref<1x80x125xi32, #tpu.memory_space<hbm>> -> memref<80x125xi32, #tpu.memory_space<hbm>>
    tpu.wait_dma2 semaphore(%arg11 : memref<!tpu.dma_semaphore, #tpu.memory_space<semaphore_mem>>) src(%dma_wait3A_43 : memref<80x125xi32, #tpu.memory_space<hbm>>) dst(%arg6 : memref<80x125xi32, #tpu.memory_space<vmem>>)
    %dma_wait3A_44 = arith.constant 0 : i32
    %dma_wait3A_45 = arith.constant 0 : i32
    %dma_wait3A_46 = tpu.memref_slice %arg4[%add3A, %dma_wait3A_44, %dma_wait3A_45] : memref<32x80x125xi32, #tpu.memory_space<hbm>> -> memref<1x40x125xi32, #tpu.memory_space<hbm>>
    %dma_wait3A_47 = tpu.memref_squeeze %dma_wait3A_46 : memref<1x40x125xi32, #tpu.memory_space<hbm>> -> memref<40x125xi32, #tpu.memory_space<hbm>>
    %dma_wait3A_48 = arith.constant 0 : i32
    %dma_wait3A_49 = arith.constant 0 : i32
    %dma_wait3A_50 = tpu.memref_slice %arg4[%add3A, %dma_wait3A_48, %dma_wait3A_49] : memref<32x80x125xi32, #tpu.memory_space<hbm>> -> memref<1x40x125xi32, #tpu.memory_space<hbm>>
    %dma_wait3A_51 = tpu.memref_squeeze %dma_wait3A_50 : memref<1x40x125xi32, #tpu.memory_space<hbm>> -> memref<40x125xi32, #tpu.memory_space<hbm>>
    tpu.wait_dma2 semaphore(%arg11 : memref<!tpu.dma_semaphore, #tpu.memory_space<semaphore_mem>>) src(%dma_wait3A_51 : memref<40x125xi32, #tpu.memory_space<hbm>>) dst(%arg7 : memref<40x125xi32, #tpu.memory_space<vmem>>)
    %barrier3A = arith.constant 0 : index
    tpu.barrier barrier_id(%barrier3A)
    %dma_start3A_52 = arith.constant 0 : i32
    %dma_start3A_53 = arith.constant 0 : i32
    %dma_start3A_54 = tpu.memref_slice %arg6[%dma_start3A_52, %dma_start3A_53] : memref<80x125xi32, #tpu.memory_space<vmem>> -> memref<1x125xi32, #tpu.memory_space<vmem>>
    %dma_start3A_55 = tpu.memref_squeeze %dma_start3A_54 : memref<1x125xi32, #tpu.memory_space<vmem>> -> memref<125xi32, #tpu.memory_space<vmem>>
    %dma_start3A_56 = arith.constant 0 : i32
    %dma_start3A_57 = arith.constant 0 : i32
    %dma_start3A_58 = tpu.memref_slice %arg2[%dma_start3A_56, %dma_start3A_57] : memref<10000x128xf32, #tpu.memory_space<hbm>> -> memref<10000x128xf32, #tpu.memory_space<hbm>>
    tpu.enqueue_indirect_dma source(%dma_start3A_58 : memref<10000x128xf32, #tpu.memory_space<hbm>>) target(%arg8 : memref<125x128xf32, #tpu.memory_space<vmem>>) offsets(%dma_start3A_55 : memref<125xi32, #tpu.memory_space<vmem>>) semaphore(%arg12 : memref<!tpu.dma_semaphore, #tpu.memory_space<semaphore_mem>>)
    %scan3A_59 = arith.constant 0 : i32
    %scan3A_60 = arith.constant 20 : i32
    %scan3A_61 = arith.addi %scan3A_59, %scan3A_60 : i32
    %scan3A_62 = arith.constant 1 : i32
    scf.for %scan3A_86 = %scan3A_59 to %scan3A_61 step %scan3A_62  : i32 {
      %mul3A_87 = arith.constant 2 : i32
      %mul3A_88 = arith.muli %scan3A_86, %mul3A_87 : i32
      %add3A_89 = arith.constant 0 : i32
      %add3A_90 = arith.addi %add3A_89, %mul3A_88 : i32
      %add3A_91 = arith.constant 0 : i32
      %add3A_92 = arith.addi %add3A_91, %add3A_90 : i32
      %dma_wait3A_93 = arith.constant 0 : i32
      %dma_wait3A_94 = tpu.memref_slice %arg6[%add3A_92, %dma_wait3A_93] : memref<80x125xi32, #tpu.memory_space<vmem>> -> memref<1x125xi32, #tpu.memory_space<vmem>>
      %dma_wait3A_95 = tpu.memref_squeeze %dma_wait3A_94 : memref<1x125xi32, #tpu.memory_space<vmem>> -> memref<125xi32, #tpu.memory_space<vmem>>
      %dma_wait3A_96 = arith.constant 0 : i32
      %dma_wait3A_97 = arith.constant 0 : i32
      %dma_wait3A_98 = tpu.memref_slice %arg2[%dma_wait3A_96, %dma_wait3A_97] : memref<10000x128xf32, #tpu.memory_space<hbm>> -> memref<10000x128xf32, #tpu.memory_space<hbm>>
      tpu.wait_indirect_dma semaphore(%arg12 : memref<!tpu.dma_semaphore, #tpu.memory_space<semaphore_mem>>) src(%dma_wait3A_98 : memref<10000x128xf32, #tpu.memory_space<hbm>>) dst(%arg8 : memref<125x128xf32, #tpu.memory_space<vmem>>)
      %add3A_99 = arith.constant 0 : i32
      %add3A_100 = arith.addi %add3A_99, %add3A_90 : i32
      %add3A_101 = arith.constant 1 : i32
      %add3A_102 = arith.addi %add3A_100, %add3A_101 : i32
      %dma_start3A_103 = arith.constant 0 : i32
      %dma_start3A_104 = tpu.memref_slice %arg6[%add3A_102, %dma_start3A_103] : memref<80x125xi32, #tpu.memory_space<vmem>> -> memref<1x125xi32, #tpu.memory_space<vmem>>
      %dma_start3A_105 = tpu.memref_squeeze %dma_start3A_104 : memref<1x125xi32, #tpu.memory_space<vmem>> -> memref<125xi32, #tpu.memory_space<vmem>>
      %dma_start3A_106 = arith.constant 0 : i32
      %dma_start3A_107 = arith.constant 0 : i32
      %dma_start3A_108 = tpu.memref_slice %arg2[%dma_start3A_106, %dma_start3A_107] : memref<10000x128xf32, #tpu.memory_space<hbm>> -> memref<10000x128xf32, #tpu.memory_space<hbm>>
      tpu.enqueue_indirect_dma source(%dma_start3A_108 : memref<10000x128xf32, #tpu.memory_space<hbm>>) target(%arg9 : memref<125x128xf32, #tpu.memory_space<vmem>>) offsets(%dma_start3A_105 : memref<125xi32, #tpu.memory_space<vmem>>) semaphore(%arg13 : memref<!tpu.dma_semaphore, #tpu.memory_space<semaphore_mem>>)
      "tpu.region"() ({
        %run_scoped3A = tpu.sem_alloc : memref<!tpu.dma_semaphore, #tpu.memory_space<semaphore_mem>>
        %dma_start3A_126 = arith.constant 0 : i32
        %dma_start3A_127 = tpu.memref_slice %arg7[%add3A_90, %dma_start3A_126] : memref<40x125xi32, #tpu.memory_space<vmem>> -> memref<1x125xi32, #tpu.memory_space<vmem>>
        %dma_start3A_128 = tpu.memref_squeeze %dma_start3A_127 : memref<1x125xi32, #tpu.memory_space<vmem>> -> memref<125xi32, #tpu.memory_space<vmem>>
        %dma_start3A_129 = arith.constant 0 : i32
        %dma_start3A_130 = arith.constant 0 : i32
        %dma_start3A_131 = tpu.memref_slice %arg10[%dma_start3A_129, %dma_start3A_130] : memref<10000x128xf32, #tpu.memory_space<vmem_shared>> -> memref<10000x128xf32, #tpu.memory_space<vmem_shared>>
        tpu.enqueue_indirect_dma source(%arg8 : memref<125x128xf32, #tpu.memory_space<vmem>>) target(%dma_start3A_131 : memref<10000x128xf32, #tpu.memory_space<vmem_shared>>) offsets(%dma_start3A_128 : memref<125xi32, #tpu.memory_space<vmem>>) semaphore(%run_scoped3A : memref<!tpu.dma_semaphore, #tpu.memory_space<semaphore_mem>>) {add = true}
        %dma_wait3A_132 = arith.constant 0 : i32
        %dma_wait3A_133 = tpu.memref_slice %arg7[%add3A_90, %dma_wait3A_132] : memref<40x125xi32, #tpu.memory_space<vmem>> -> memref<1x125xi32, #tpu.memory_space<vmem>>
        %dma_wait3A_134 = tpu.memref_squeeze %dma_wait3A_133 : memref<1x125xi32, #tpu.memory_space<vmem>> -> memref<125xi32, #tpu.memory_space<vmem>>
        %dma_wait3A_135 = arith.constant 0 : i32
        %dma_wait3A_136 = arith.constant 0 : i32
        %dma_wait3A_137 = tpu.memref_slice %arg10[%dma_wait3A_135, %dma_wait3A_136] : memref<10000x128xf32, #tpu.memory_space<vmem_shared>> -> memref<10000x128xf32, #tpu.memory_space<vmem_shared>>
        tpu.wait_indirect_dma semaphore(%run_scoped3A : memref<!tpu.dma_semaphore, #tpu.memory_space<semaphore_mem>>) src(%arg8 : memref<125x128xf32, #tpu.memory_space<vmem>>) dst(%dma_wait3A_137 : memref<10000x128xf32, #tpu.memory_space<vmem_shared>>)
        tpu.yield
      }) : () -> ()
      %add3A_109 = arith.constant 0 : i32
      %add3A_110 = arith.addi %add3A_109, %add3A_90 : i32
      %dma_wait3A_111 = arith.constant 0 : i32
      %dma_wait3A_112 = tpu.memref_slice %arg6[%add3A_110, %dma_wait3A_111] : memref<80x125xi32, #tpu.memory_space<vmem>> -> memref<1x125xi32, #tpu.memory_space<vmem>>
      %dma_wait3A_113 = tpu.memref_squeeze %dma_wait3A_112 : memref<1x125xi32, #tpu.memory_space<vmem>> -> memref<125xi32, #tpu.memory_space<vmem>>
      %dma_wait3A_114 = arith.constant 0 : i32
      %dma_wait3A_115 = arith.constant 0 : i32
      %dma_wait3A_116 = tpu.memref_slice %arg2[%dma_wait3A_114, %dma_wait3A_115] : memref<10000x128xf32, #tpu.memory_space<hbm>> -> memref<10000x128xf32, #tpu.memory_space<hbm>>
      tpu.wait_indirect_dma semaphore(%arg13 : memref<!tpu.dma_semaphore, #tpu.memory_space<semaphore_mem>>) src(%dma_wait3A_116 : memref<10000x128xf32, #tpu.memory_space<hbm>>) dst(%arg9 : memref<125x128xf32, #tpu.memory_space<vmem>>)
      %add3A_117 = arith.constant 2 : i32
      %add3A_118 = arith.addi %add3A_90, %add3A_117 : i32
      %lt3A_119 = arith.constant 40 : i32
      %lt3A_120 = arith.cmpi slt, %add3A_118, %lt3A_119 : i32
      %convert_element_type3A_121 = arith.extui %lt3A_120 : i1 to i32
      %cond3A_122 = arith.constant 0 : i32
      %cond3A_123 = arith.cmpi ne, %convert_element_type3A_121, %cond3A_122 : i32
      scf.if %cond3A_123 {
        %add3A_126 = arith.constant 0 : i32
        %add3A_127 = arith.addi %add3A_126, %add3A_90 : i32
        %add3A_128 = arith.constant 2 : i32
        %add3A_129 = arith.addi %add3A_127, %add3A_128 : i32
        %dma_start3A_130 = arith.constant 0 : i32
        %dma_start3A_131 = tpu.memref_slice %arg6[%add3A_129, %dma_start3A_130] : memref<80x125xi32, #tpu.memory_space<vmem>> -> memref<1x125xi32, #tpu.memory_space<vmem>>
        %dma_start3A_132 = tpu.memref_squeeze %dma_start3A_131 : memref<1x125xi32, #tpu.memory_space<vmem>> -> memref<125xi32, #tpu.memory_space<vmem>>
        %dma_start3A_133 = arith.constant 0 : i32
        %dma_start3A_134 = arith.constant 0 : i32
        %dma_start3A_135 = tpu.memref_slice %arg2[%dma_start3A_133, %dma_start3A_134] : memref<10000x128xf32, #tpu.memory_space<hbm>> -> memref<10000x128xf32, #tpu.memory_space<hbm>>
        tpu.enqueue_indirect_dma source(%dma_start3A_135 : memref<10000x128xf32, #tpu.memory_space<hbm>>) target(%arg8 : memref<125x128xf32, #tpu.memory_space<vmem>>) offsets(%dma_start3A_132 : memref<125xi32, #tpu.memory_space<vmem>>) semaphore(%arg12 : memref<!tpu.dma_semaphore, #tpu.memory_space<semaphore_mem>>)
      } else {
      }
      %add3A_124 = arith.constant 1 : i32
      %add3A_125 = arith.addi %add3A_90, %add3A_124 : i32
      "tpu.region"() ({
        %run_scoped3A = tpu.sem_alloc : memref<!tpu.dma_semaphore, #tpu.memory_space<semaphore_mem>>
        %dma_start3A_126 = arith.constant 0 : i32
        %dma_start3A_127 = tpu.memref_slice %arg7[%add3A_125, %dma_start3A_126] : memref<40x125xi32, #tpu.memory_space<vmem>> -> memref<1x125xi32, #tpu.memory_space<vmem>>
        %dma_start3A_128 = tpu.memref_squeeze %dma_start3A_127 : memref<1x125xi32, #tpu.memory_space<vmem>> -> memref<125xi32, #tpu.memory_space<vmem>>
        %dma_start3A_129 = arith.constant 0 : i32
        %dma_start3A_130 = arith.constant 0 : i32
        %dma_start3A_131 = tpu.memref_slice %arg10[%dma_start3A_129, %dma_start3A_130] : memref<10000x128xf32, #tpu.memory_space<vmem_shared>> -> memref<10000x128xf32, #tpu.memory_space<vmem_shared>>
        tpu.enqueue_indirect_dma source(%arg9 : memref<125x128xf32, #tpu.memory_space<vmem>>) target(%dma_start3A_131 : memref<10000x128xf32, #tpu.memory_space<vmem_shared>>) offsets(%dma_start3A_128 : memref<125xi32, #tpu.memory_space<vmem>>) semaphore(%run_scoped3A : memref<!tpu.dma_semaphore, #tpu.memory_space<semaphore_mem>>) {add = true}
        %dma_wait3A_132 = arith.constant 0 : i32
        %dma_wait3A_133 = tpu.memref_slice %arg7[%add3A_125, %dma_wait3A_132] : memref<40x125xi32, #tpu.memory_space<vmem>> -> memref<1x125xi32, #tpu.memory_space<vmem>>
        %dma_wait3A_134 = tpu.memref_squeeze %dma_wait3A_133 : memref<1x125xi32, #tpu.memory_space<vmem>> -> memref<125xi32, #tpu.memory_space<vmem>>
        %dma_wait3A_135 = arith.constant 0 : i32
        %dma_wait3A_136 = arith.constant 0 : i32
        %dma_wait3A_137 = tpu.memref_slice %arg10[%dma_wait3A_135, %dma_wait3A_136] : memref<10000x128xf32, #tpu.memory_space<vmem_shared>> -> memref<10000x128xf32, #tpu.memory_space<vmem_shared>>
        tpu.wait_indirect_dma semaphore(%run_scoped3A : memref<!tpu.dma_semaphore, #tpu.memory_space<semaphore_mem>>) src(%arg9 : memref<125x128xf32, #tpu.memory_space<vmem>>) dst(%dma_wait3A_137 : memref<10000x128xf32, #tpu.memory_space<vmem_shared>>)
        tpu.yield
      }) : () -> ()
    }
    %scan3A_63 = arith.constant 20 : i32
    "tpu.region"() ({
      %run_scoped3A = tpu.sem_alloc : memref<!tpu.dma_semaphore, #tpu.memory_space<semaphore_mem>>
      %dma_start3A_86 = arith.constant 40 : i32
      %dma_start3A_87 = arith.constant 0 : i32
      %dma_start3A_88 = tpu.memref_slice %arg4[%add3A, %dma_start3A_86, %dma_start3A_87] : memref<32x80x125xi32, #tpu.memory_space<hbm>> -> memref<1x40x125xi32, #tpu.memory_space<hbm>>
      %dma_start3A_89 = tpu.memref_squeeze %dma_start3A_88 : memref<1x40x125xi32, #tpu.memory_space<hbm>> -> memref<40x125xi32, #tpu.memory_space<hbm>>
      %dma_start3A_90 = arith.constant 40 : i32
      %dma_start3A_91 = arith.constant 0 : i32
      %dma_start3A_92 = tpu.memref_slice %arg4[%add3A, %dma_start3A_90, %dma_start3A_91] : memref<32x80x125xi32, #tpu.memory_space<hbm>> -> memref<1x40x125xi32, #tpu.memory_space<hbm>>
      %dma_start3A_93 = tpu.memref_squeeze %dma_start3A_92 : memref<1x40x125xi32, #tpu.memory_space<hbm>> -> memref<40x125xi32, #tpu.memory_space<hbm>>
      tpu.enqueue_dma source(%dma_start3A_93 : memref<40x125xi32, #tpu.memory_space<hbm>>) target(%arg7 : memref<40x125xi32, #tpu.memory_space<vmem>>) target_semaphore(%run_scoped3A : memref<!tpu.dma_semaphore, #tpu.memory_space<semaphore_mem>>)
      %dma_wait3A_94 = arith.constant 40 : i32
      %dma_wait3A_95 = arith.constant 0 : i32
      %dma_wait3A_96 = tpu.memref_slice %arg4[%add3A, %dma_wait3A_94, %dma_wait3A_95] : memref<32x80x125xi32, #tpu.memory_space<hbm>> -> memref<1x40x125xi32, #tpu.memory_space<hbm>>
      %dma_wait3A_97 = tpu.memref_squeeze %dma_wait3A_96 : memref<1x40x125xi32, #tpu.memory_space<hbm>> -> memref<40x125xi32, #tpu.memory_space<hbm>>
      %dma_wait3A_98 = arith.constant 40 : i32
      %dma_wait3A_99 = arith.constant 0 : i32
      %dma_wait3A_100 = tpu.memref_slice %arg4[%add3A, %dma_wait3A_98, %dma_wait3A_99] : memref<32x80x125xi32, #tpu.memory_space<hbm>> -> memref<1x40x125xi32, #tpu.memory_space<hbm>>
      %dma_wait3A_101 = tpu.memref_squeeze %dma_wait3A_100 : memref<1x40x125xi32, #tpu.memory_space<hbm>> -> memref<40x125xi32, #tpu.memory_space<hbm>>
      tpu.wait_dma2 semaphore(%run_scoped3A : memref<!tpu.dma_semaphore, #tpu.memory_space<semaphore_mem>>) src(%dma_wait3A_101 : memref<40x125xi32, #tpu.memory_space<hbm>>) dst(%arg7 : memref<40x125xi32, #tpu.memory_space<vmem>>)
      tpu.yield
    }) : () -> ()
    %dma_start3A_64 = arith.constant 40 : i32
    %dma_start3A_65 = arith.constant 0 : i32
    %dma_start3A_66 = tpu.memref_slice %arg6[%dma_start3A_64, %dma_start3A_65] : memref<80x125xi32, #tpu.memory_space<vmem>> -> memref<1x125xi32, #tpu.memory_space<vmem>>
    %dma_start3A_67 = tpu.memref_squeeze %dma_start3A_66 : memref<1x125xi32, #tpu.memory_space<vmem>> -> memref<125xi32, #tpu.memory_space<vmem>>
    %dma_start3A_68 = arith.constant 0 : i32
    %dma_start3A_69 = arith.constant 0 : i32
    %dma_start3A_70 = tpu.memref_slice %arg2[%dma_start3A_68, %dma_start3A_69] : memref<10000x128xf32, #tpu.memory_space<hbm>> -> memref<10000x128xf32, #tpu.memory_space<hbm>>
    tpu.enqueue_indirect_dma source(%dma_start3A_70 : memref<10000x128xf32, #tpu.memory_space<hbm>>) target(%arg8 : memref<125x128xf32, #tpu.memory_space<vmem>>) offsets(%dma_start3A_67 : memref<125xi32, #tpu.memory_space<vmem>>) semaphore(%arg12 : memref<!tpu.dma_semaphore, #tpu.memory_space<semaphore_mem>>)
    %scan3A_71 = arith.constant 0 : i32
    %scan3A_72 = arith.constant 20 : i32
    %scan3A_73 = arith.addi %scan3A_71, %scan3A_72 : i32
    %scan3A_74 = arith.constant 1 : i32
    scf.for %scan3A_86 = %scan3A_71 to %scan3A_73 step %scan3A_74  : i32 {
      %mul3A_87 = arith.constant 2 : i32
      %mul3A_88 = arith.muli %scan3A_86, %mul3A_87 : i32
      %add3A_89 = arith.constant 0 : i32
      %add3A_90 = arith.addi %add3A_89, %mul3A_88 : i32
      %add3A_91 = arith.constant 40 : i32
      %add3A_92 = arith.addi %add3A_91, %add3A_90 : i32
      %dma_wait3A_93 = arith.constant 0 : i32
      %dma_wait3A_94 = tpu.memref_slice %arg6[%add3A_92, %dma_wait3A_93] : memref<80x125xi32, #tpu.memory_space<vmem>> -> memref<1x125xi32, #tpu.memory_space<vmem>>
      %dma_wait3A_95 = tpu.memref_squeeze %dma_wait3A_94 : memref<1x125xi32, #tpu.memory_space<vmem>> -> memref<125xi32, #tpu.memory_space<vmem>>
      %dma_wait3A_96 = arith.constant 0 : i32
      %dma_wait3A_97 = arith.constant 0 : i32
      %dma_wait3A_98 = tpu.memref_slice %arg2[%dma_wait3A_96, %dma_wait3A_97] : memref<10000x128xf32, #tpu.memory_space<hbm>> -> memref<10000x128xf32, #tpu.memory_space<hbm>>
      tpu.wait_indirect_dma semaphore(%arg12 : memref<!tpu.dma_semaphore, #tpu.memory_space<semaphore_mem>>) src(%dma_wait3A_98 : memref<10000x128xf32, #tpu.memory_space<hbm>>) dst(%arg8 : memref<125x128xf32, #tpu.memory_space<vmem>>)
      %add3A_99 = arith.constant 40 : i32
      %add3A_100 = arith.addi %add3A_99, %add3A_90 : i32
      %add3A_101 = arith.constant 1 : i32
      %add3A_102 = arith.addi %add3A_100, %add3A_101 : i32
      %dma_start3A_103 = arith.constant 0 : i32
      %dma_start3A_104 = tpu.memref_slice %arg6[%add3A_102, %dma_start3A_103] : memref<80x125xi32, #tpu.memory_space<vmem>> -> memref<1x125xi32, #tpu.memory_space<vmem>>
      %dma_start3A_105 = tpu.memref_squeeze %dma_start3A_104 : memref<1x125xi32, #tpu.memory_space<vmem>> -> memref<125xi32, #tpu.memory_space<vmem>>
      %dma_start3A_106 = arith.constant 0 : i32
      %dma_start3A_107 = arith.constant 0 : i32
      %dma_start3A_108 = tpu.memref_slice %arg2[%dma_start3A_106, %dma_start3A_107] : memref<10000x128xf32, #tpu.memory_space<hbm>> -> memref<10000x128xf32, #tpu.memory_space<hbm>>
      tpu.enqueue_indirect_dma source(%dma_start3A_108 : memref<10000x128xf32, #tpu.memory_space<hbm>>) target(%arg9 : memref<125x128xf32, #tpu.memory_space<vmem>>) offsets(%dma_start3A_105 : memref<125xi32, #tpu.memory_space<vmem>>) semaphore(%arg13 : memref<!tpu.dma_semaphore, #tpu.memory_space<semaphore_mem>>)
      "tpu.region"() ({
        %run_scoped3A = tpu.sem_alloc : memref<!tpu.dma_semaphore, #tpu.memory_space<semaphore_mem>>
        %dma_start3A_126 = arith.constant 0 : i32
        %dma_start3A_127 = tpu.memref_slice %arg7[%add3A_90, %dma_start3A_126] : memref<40x125xi32, #tpu.memory_space<vmem>> -> memref<1x125xi32, #tpu.memory_space<vmem>>
        %dma_start3A_128 = tpu.memref_squeeze %dma_start3A_127 : memref<1x125xi32, #tpu.memory_space<vmem>> -> memref<125xi32, #tpu.memory_space<vmem>>
        %dma_start3A_129 = arith.constant 0 : i32
        %dma_start3A_130 = arith.constant 0 : i32
        %dma_start3A_131 = tpu.memref_slice %arg10[%dma_start3A_129, %dma_start3A_130] : memref<10000x128xf32, #tpu.memory_space<vmem_shared>> -> memref<10000x128xf32, #tpu.memory_space<vmem_shared>>
        tpu.enqueue_indirect_dma source(%arg8 : memref<125x128xf32, #tpu.memory_space<vmem>>) target(%dma_start3A_131 : memref<10000x128xf32, #tpu.memory_space<vmem_shared>>) offsets(%dma_start3A_128 : memref<125xi32, #tpu.memory_space<vmem>>) semaphore(%run_scoped3A : memref<!tpu.dma_semaphore, #tpu.memory_space<semaphore_mem>>) {add = true}
        %dma_wait3A_132 = arith.constant 0 : i32
        %dma_wait3A_133 = tpu.memref_slice %arg7[%add3A_90, %dma_wait3A_132] : memref<40x125xi32, #tpu.memory_space<vmem>> -> memref<1x125xi32, #tpu.memory_space<vmem>>
        %dma_wait3A_134 = tpu.memref_squeeze %dma_wait3A_133 : memref<1x125xi32, #tpu.memory_space<vmem>> -> memref<125xi32, #tpu.memory_space<vmem>>
        %dma_wait3A_135 = arith.constant 0 : i32
        %dma_wait3A_136 = arith.constant 0 : i32
        %dma_wait3A_137 = tpu.memref_slice %arg10[%dma_wait3A_135, %dma_wait3A_136] : memref<10000x128xf32, #tpu.memory_space<vmem_shared>> -> memref<10000x128xf32, #tpu.memory_space<vmem_shared>>
        tpu.wait_indirect_dma semaphore(%run_scoped3A : memref<!tpu.dma_semaphore, #tpu.memory_space<semaphore_mem>>) src(%arg8 : memref<125x128xf32, #tpu.memory_space<vmem>>) dst(%dma_wait3A_137 : memref<10000x128xf32, #tpu.memory_space<vmem_shared>>)
        tpu.yield
      }) : () -> ()
      %add3A_109 = arith.constant 40 : i32
      %add3A_110 = arith.addi %add3A_109, %add3A_90 : i32
      %dma_wait3A_111 = arith.constant 0 : i32
      %dma_wait3A_112 = tpu.memref_slice %arg6[%add3A_110, %dma_wait3A_111] : memref<80x125xi32, #tpu.memory_space<vmem>> -> memref<1x125xi32, #tpu.memory_space<vmem>>
      %dma_wait3A_113 = tpu.memref_squeeze %dma_wait3A_112 : memref<1x125xi32, #tpu.memory_space<vmem>> -> memref<125xi32, #tpu.memory_space<vmem>>
      %dma_wait3A_114 = arith.constant 0 : i32
      %dma_wait3A_115 = arith.constant 0 : i32
      %dma_wait3A_116 = tpu.memref_slice %arg2[%dma_wait3A_114, %dma_wait3A_115] : memref<10000x128xf32, #tpu.memory_space<hbm>> -> memref<10000x128xf32, #tpu.memory_space<hbm>>
      tpu.wait_indirect_dma semaphore(%arg13 : memref<!tpu.dma_semaphore, #tpu.memory_space<semaphore_mem>>) src(%dma_wait3A_116 : memref<10000x128xf32, #tpu.memory_space<hbm>>) dst(%arg9 : memref<125x128xf32, #tpu.memory_space<vmem>>)
      %add3A_117 = arith.constant 2 : i32
      %add3A_118 = arith.addi %add3A_90, %add3A_117 : i32
      %lt3A_119 = arith.constant 40 : i32
      %lt3A_120 = arith.cmpi slt, %add3A_118, %lt3A_119 : i32
      %convert_element_type3A_121 = arith.extui %lt3A_120 : i1 to i32
      %cond3A_122 = arith.constant 0 : i32
      %cond3A_123 = arith.cmpi ne, %convert_element_type3A_121, %cond3A_122 : i32
      scf.if %cond3A_123 {
        %add3A_126 = arith.constant 40 : i32
        %add3A_127 = arith.addi %add3A_126, %add3A_90 : i32
        %add3A_128 = arith.constant 2 : i32
        %add3A_129 = arith.addi %add3A_127, %add3A_128 : i32
        %dma_start3A_130 = arith.constant 0 : i32
        %dma_start3A_131 = tpu.memref_slice %arg6[%add3A_129, %dma_start3A_130] : memref<80x125xi32, #tpu.memory_space<vmem>> -> memref<1x125xi32, #tpu.memory_space<vmem>>
        %dma_start3A_132 = tpu.memref_squeeze %dma_start3A_131 : memref<1x125xi32, #tpu.memory_space<vmem>> -> memref<125xi32, #tpu.memory_space<vmem>>
        %dma_start3A_133 = arith.constant 0 : i32
        %dma_start3A_134 = arith.constant 0 : i32
        %dma_start3A_135 = tpu.memref_slice %arg2[%dma_start3A_133, %dma_start3A_134] : memref<10000x128xf32, #tpu.memory_space<hbm>> -> memref<10000x128xf32, #tpu.memory_space<hbm>>
        tpu.enqueue_indirect_dma source(%dma_start3A_135 : memref<10000x128xf32, #tpu.memory_space<hbm>>) target(%arg8 : memref<125x128xf32, #tpu.memory_space<vmem>>) offsets(%dma_start3A_132 : memref<125xi32, #tpu.memory_space<vmem>>) semaphore(%arg12 : memref<!tpu.dma_semaphore, #tpu.memory_space<semaphore_mem>>)
      } else {
      }
      %add3A_124 = arith.constant 1 : i32
      %add3A_125 = arith.addi %add3A_90, %add3A_124 : i32
      "tpu.region"() ({
        %run_scoped3A = tpu.sem_alloc : memref<!tpu.dma_semaphore, #tpu.memory_space<semaphore_mem>>
        %dma_start3A_126 = arith.constant 0 : i32
        %dma_start3A_127 = tpu.memref_slice %arg7[%add3A_125, %dma_start3A_126] : memref<40x125xi32, #tpu.memory_space<vmem>> -> memref<1x125xi32, #tpu.memory_space<vmem>>
        %dma_start3A_128 = tpu.memref_squeeze %dma_start3A_127 : memref<1x125xi32, #tpu.memory_space<vmem>> -> memref<125xi32, #tpu.memory_space<vmem>>
        %dma_start3A_129 = arith.constant 0 : i32
        %dma_start3A_130 = arith.constant 0 : i32
        %dma_start3A_131 = tpu.memref_slice %arg10[%dma_start3A_129, %dma_start3A_130] : memref<10000x128xf32, #tpu.memory_space<vmem_shared>> -> memref<10000x128xf32, #tpu.memory_space<vmem_shared>>
        tpu.enqueue_indirect_dma source(%arg9 : memref<125x128xf32, #tpu.memory_space<vmem>>) target(%dma_start3A_131 : memref<10000x128xf32, #tpu.memory_space<vmem_shared>>) offsets(%dma_start3A_128 : memref<125xi32, #tpu.memory_space<vmem>>) semaphore(%run_scoped3A : memref<!tpu.dma_semaphore, #tpu.memory_space<semaphore_mem>>) {add = true}
        %dma_wait3A_132 = arith.constant 0 : i32
        %dma_wait3A_133 = tpu.memref_slice %arg7[%add3A_125, %dma_wait3A_132] : memref<40x125xi32, #tpu.memory_space<vmem>> -> memref<1x125xi32, #tpu.memory_space<vmem>>
        %dma_wait3A_134 = tpu.memref_squeeze %dma_wait3A_133 : memref<1x125xi32, #tpu.memory_space<vmem>> -> memref<125xi32, #tpu.memory_space<vmem>>
        %dma_wait3A_135 = arith.constant 0 : i32
        %dma_wait3A_136 = arith.constant 0 : i32
        %dma_wait3A_137 = tpu.memref_slice %arg10[%dma_wait3A_135, %dma_wait3A_136] : memref<10000x128xf32, #tpu.memory_space<vmem_shared>> -> memref<10000x128xf32, #tpu.memory_space<vmem_shared>>
        tpu.wait_indirect_dma semaphore(%run_scoped3A : memref<!tpu.dma_semaphore, #tpu.memory_space<semaphore_mem>>) src(%arg9 : memref<125x128xf32, #tpu.memory_space<vmem>>) dst(%dma_wait3A_137 : memref<10000x128xf32, #tpu.memory_space<vmem_shared>>)
        tpu.yield
      }) : () -> ()
    }
    %scan3A_75 = arith.constant 20 : i32
    %barrier3A_76 = arith.constant 0 : index
    tpu.barrier barrier_id(%barrier3A_76)
    %lt3A = arith.constant 15 : i32
    %lt3A_77 = arith.cmpi slt, %arg1, %lt3A : i32
    %convert_element_type3A_78 = arith.extui %lt3A_77 : i1 to i32
    %cond3A_79 = arith.constant 0 : i32
    %cond3A_80 = arith.cmpi ne, %convert_element_type3A_78, %cond3A_79 : i32
    scf.if %cond3A_80 {
      %mul3A_86 = arith.constant 624 : i32
      %mul3A_87 = arith.muli %arg1, %mul3A_86 : i32
      %mul3A_88 = arith.constant 624 : i32
      %mul3A_89 = arith.muli %arg1, %mul3A_88 : i32
      "tpu.region"() ({
        %run_scoped3A = tpu.sem_alloc : memref<!tpu.dma_semaphore, #tpu.memory_space<semaphore_mem>>
        %dma_start3A_90 = arith.constant 0 : i32
        %dma_start3A_91 = tpu.memref_slice %arg5[%arg0, %mul3A_89, %dma_start3A_90] : memref<2x10000x128xf32, #tpu.memory_space<hbm>> -> memref<1x624x128xf32, #tpu.memory_space<hbm>>
        %dma_start3A_92 = tpu.memref_squeeze %dma_start3A_91 : memref<1x624x128xf32, #tpu.memory_space<hbm>> -> memref<624x128xf32, #tpu.memory_space<hbm>>
        %dma_start3A_93 = arith.constant 0 : i32
        %dma_start3A_94 = tpu.memref_slice %arg10[%mul3A_87, %dma_start3A_93] : memref<10000x128xf32, #tpu.memory_space<vmem_shared>> -> memref<624x128xf32, #tpu.memory_space<vmem_shared>>
        tpu.enqueue_dma source(%dma_start3A_94 : memref<624x128xf32, #tpu.memory_space<vmem_shared>>) target(%dma_start3A_92 : memref<624x128xf32, #tpu.memory_space<hbm>>) target_semaphore(%run_scoped3A : memref<!tpu.dma_semaphore, #tpu.memory_space<semaphore_mem>>)
        %dma_wait3A_95 = arith.constant 0 : i32
        %dma_wait3A_96 = tpu.memref_slice %arg5[%arg0, %mul3A_89, %dma_wait3A_95] : memref<2x10000x128xf32, #tpu.memory_space<hbm>> -> memref<1x624x128xf32, #tpu.memory_space<hbm>>
        %dma_wait3A_97 = tpu.memref_squeeze %dma_wait3A_96 : memref<1x624x128xf32, #tpu.memory_space<hbm>> -> memref<624x128xf32, #tpu.memory_space<hbm>>
        %dma_wait3A_98 = arith.constant 0 : i32
        %dma_wait3A_99 = tpu.memref_slice %arg10[%mul3A_87, %dma_wait3A_98] : memref<10000x128xf32, #tpu.memory_space<vmem_shared>> -> memref<624x128xf32, #tpu.memory_space<vmem_shared>>
        tpu.wait_dma2 semaphore(%run_scoped3A : memref<!tpu.dma_semaphore, #tpu.memory_space<semaphore_mem>>) src(%dma_wait3A_99 : memref<624x128xf32, #tpu.memory_space<vmem_shared>>) dst(%dma_wait3A_97 : memref<624x128xf32, #tpu.memory_space<hbm>>)
        tpu.yield
      }) : () -> ()
    } else {
    }
    %eq3A_81 = arith.constant 15 : i32
    %eq3A_82 = arith.cmpi eq, %arg1, %eq3A_81 : i32
    %convert_element_type3A_83 = arith.extui %eq3A_82 : i1 to i32
    %cond3A_84 = arith.constant 0 : i32
    %cond3A_85 = arith.cmpi ne, %convert_element_type3A_83, %cond3A_84 : i32
    scf.if %cond3A_85 {
      "tpu.region"() ({
        %run_scoped3A = tpu.sem_alloc : memref<!tpu.dma_semaphore, #tpu.memory_space<semaphore_mem>>
        %dma_start3A_86 = arith.constant 9360 : i32
        %dma_start3A_87 = arith.constant 0 : i32
        %dma_start3A_88 = tpu.memref_slice %arg5[%arg0, %dma_start3A_86, %dma_start3A_87] : memref<2x10000x128xf32, #tpu.memory_space<hbm>> -> memref<1x640x128xf32, #tpu.memory_space<hbm>>
        %dma_start3A_89 = tpu.memref_squeeze %dma_start3A_88 : memref<1x640x128xf32, #tpu.memory_space<hbm>> -> memref<640x128xf32, #tpu.memory_space<hbm>>
        %dma_start3A_90 = arith.constant 9360 : i32
        %dma_start3A_91 = arith.constant 0 : i32
        %dma_start3A_92 = tpu.memref_slice %arg10[%dma_start3A_90, %dma_start3A_91] : memref<10000x128xf32, #tpu.memory_space<vmem_shared>> -> memref<640x128xf32, #tpu.memory_space<vmem_shared>>
        tpu.enqueue_dma source(%dma_start3A_92 : memref<640x128xf32, #tpu.memory_space<vmem_shared>>) target(%dma_start3A_89 : memref<640x128xf32, #tpu.memory_space<hbm>>) target_semaphore(%run_scoped3A : memref<!tpu.dma_semaphore, #tpu.memory_space<semaphore_mem>>)
        %dma_wait3A_93 = arith.constant 9360 : i32
        %dma_wait3A_94 = arith.constant 0 : i32
        %dma_wait3A_95 = tpu.memref_slice %arg5[%arg0, %dma_wait3A_93, %dma_wait3A_94] : memref<2x10000x128xf32, #tpu.memory_space<hbm>> -> memref<1x640x128xf32, #tpu.memory_space<hbm>>
        %dma_wait3A_96 = tpu.memref_squeeze %dma_wait3A_95 : memref<1x640x128xf32, #tpu.memory_space<hbm>> -> memref<640x128xf32, #tpu.memory_space<hbm>>
        %dma_wait3A_97 = arith.constant 9360 : i32
        %dma_wait3A_98 = arith.constant 0 : i32
        %dma_wait3A_99 = tpu.memref_slice %arg10[%dma_wait3A_97, %dma_wait3A_98] : memref<10000x128xf32, #tpu.memory_space<vmem_shared>> -> memref<640x128xf32, #tpu.memory_space<vmem_shared>>
        tpu.wait_dma2 semaphore(%run_scoped3A : memref<!tpu.dma_semaphore, #tpu.memory_space<semaphore_mem>>) src(%dma_wait3A_99 : memref<640x128xf32, #tpu.memory_space<vmem_shared>>) dst(%dma_wait3A_96 : memref<640x128xf32, #tpu.memory_space<hbm>>)
        tpu.yield
      }) : () -> ()
    } else {
    }
    return
  }
}

</mosaic_0001>

<sc_bundles>
// kernel: _sc_segment_sum.3.cloned.1.call-start
scs
__scs_entry_jumppad:
0x0: {  	(pc) =	sbr.rel $0x88, $3  }
0x1: {  	(tag) =	ssettag $0x0;
	lr =	simm.s32 $0x1  }
0x2: {  	[smem:$0x3F9E] =	sst lr;
	_ =	strace $0xD0000000  }
0x3: {  	_ = 	snop  }
0x4: {  	_ = 	snop  }
0x5: {  	_ = 	snop  }
0x6: {  	_ = 	snop  }
0x7: {  	_ = 	snop  }
__scs_overlays_trampoline_lowered:
0x8: {  	[smem:$0x3FAD] =	sst s0  }
0x9: {  	[smem:$0x3FAE] =	sst s1  }
0xa: {  	[smem:$0x3FAF] =	sst s2  }
0xb: {  	[smem:$0x3FB0] =	sst s3  }
0xc: {  	[smem:$0x3FB1] =	sst s4  }
0xd: {  	[smem:$0x3FB2] =	sst s5  }
0xe: {  	[smem:$0x3FB3] =	sst s6  }
0xf: {  	[smem:$0x3FB4] =	sst s7  }
0x10: {  	[smem:$0x3FB5] =	sst s8  }
0x11: {  	[smem:$0x3FB6] =	sst s9;
	s0 =	simm.s32 @!p0 $0x0  }
0x12: {  	s1 =	sld [smem:$0x3F9C];
	s0 =	simm.s32 @p0 $0x1  }
0x13: {  	[smem:$0x3FB7] =	sst s0;
	s0 =	simm.s32 @!p1 $0x0  }
0x14: {  	s2 =	sld [smem:$0x3F9B];
	s0 =	simm.s32 @p1 $0x1  }
0x15: {  	[smem:$0x3FB8] =	sst s0;
	s0 =	simm.s32 @!p2 $0x0  }
0x16: {  	s3 =	sld [smem:$0x3FDB];
	s0 =	simm.s32 @p2 $0x1  }
0x17: {  	s4 =	simm.s32 $0x1BF5;
	[smem:$0x3FBA] =	sst s0  }
0x18: {  	s0 =	sld [smem:$0x3F9D];
	_ =	swait.ge [sflag:s4], $0x0  }
0x19: {  	s7 =	sld [smem:$0x3F9E]  }
0x1a: {  	s8 =	sadd.s32 $0xFFFFE003, lr  }
0x1b: {  	s9 =	sadd.s32 $0xFFFFFEF7, lr;
	s5 =	simm.s32 $0xFFFFFFFF;
	p2 =	slt.u32 s8, $0xFFFFF086  }
0x1c: {  	p1 =	slt.u32 s9, $0xF7A;
	s5 =	simm.s32 @!p2 $0x0  }
0x1d: {  	s5 =	simm.s32 @p1 $0x1;
	p0 =	seq.s32 s7, s2  }
0x1e: {  	s7 =	smul.u32 @!p0 $0xF7A, s2;
	p2 =	seq.s32 @!p0 s5, $0x0  }
0x1f: {  	s9 =	smul.u32 $0xF7A, s1;
	s8 =	simm.s32 @!p0 $0x1BF5;
	p2 =	por !p2, p0  }
0x20: {  	[sflag:s8] =	ssyncset.s32 @!p0 $0xFFFFF086;
	s6 =	sadd.s32 @!p0 s3, s7;
	s7 =	simm.s32 @!p0 $0x108  }
0x21: {  	s3 =	sadd.s32 s3, s9;
	s6 =	sadd.s32 @!p0 $0x88, s6;
	s7 =	simm.s32 @p2 $0x1082  }
0x22: {  	[simem:s7], [sflag:s8] =	dma.local @!p0 [hbm:s6], $0xF7A  }
0x23: {  	s9 =	sor.u32 $0xD0000000, s2;
	s6 =	simm.s32 $0x108;
	_ =	swait.ge @!p0 [sflag:s8], $0x0  }
0x24: {  	s3 =	sadd.s32 $0x88, s3;
	s6 =	simm.s32 @!p1 $0x1082;
	[sflag:s4] =	ssyncset.s32 $0xFFFFF086  }
0x25: {  	[simem:s6], [sflag:s4] =	dma.local [hbm:s3], $0xF7A  }
0x26: {  	[smem:$0x3F9E] =	sst s1;
	(tag) =	ssettag s2;
	_ =	strace s9  }
0x27: {  	s1 =	sld [smem:$0x3FAE]  }
0x28: {  	s2 =	sld [smem:$0x3FAF]  }
0x29: {  	s4 =	sld [smem:$0x3FB1]  }
0x2a: {  	p0 =	seq.s32 s5, $0x0;
	s5 =	sld [smem:$0x3FB2]  }
0x2b: {  	s6 =	sld [smem:$0x3FB3]  }
0x2c: {  	s7 =	sld [smem:$0x3FB4]  }
0x2d: {  	s3 =	simm.s32 $0x108;
	s8 =	sld [smem:$0x3FB5]  }
0x2e: {  	s3 =	simm.s32 @!p0 $0x1082;
	s9 =	sld [smem:$0x3FB6]  }
0x2f: {  	lr =	sadd.s32 s0, s3;
	s0 =	sld [smem:$0x3FAD]  }
0x30: {  	s3 =	sld [smem:$0x3FB0]  }
0x31: {  	[smem:$0x3FB9] =	sst s10  }
0x32: {  	s10 =	sld [smem:$0x3FB7];
	_ =	sdelay $0x3  }
0x33: {  	p0 =	seq.s32 s10, $0x1;
	s10 =	sld [smem:$0x3FB9];
	_ =	sdelay $0x3  }
0x34: {  	[smem:$0x3FB9] =	sst s10  }
0x35: {  	s10 =	sld [smem:$0x3FB8];
	_ =	sdelay $0x3  }
0x36: {  	p1 =	seq.s32 s10, $0x1;
	s10 =	sld [smem:$0x3FB9];
	_ =	sdelay $0x3  }
0x37: {  	[smem:$0x3FB9] =	sst s10  }
0x38: {  	s10 =	sld [smem:$0x3FBA]  }
0x39: {  	_ = 	snop;
	(pc) =	sbr.ind lr, $3  }
0x3a: {  	_ = 	snop  }
0x3b: {  	_ = 	snop  }
0x3c: {  	p2 =	seq.s32 s10, $0x1;
	s10 =	sld [smem:$0x3FB9]  }
0x3d: {  	_ =	shalt  }
0x3e: {  	_ =	shalt  }
0x3f: {  	_ =	shalt  }
0x40: {  	_ =	shalt  }
0x41: {  	_ =	shalt  }
0x42: {  	_ =	shalt  }
0x43: {  	_ =	shalt  }
0x44: {  	_ =	shalt  }
0x45: {  	_ =	shalt  }
0x46: {  	_ =	shalt  }
0x47: {  	_ =	shalt  }
0x48: {  	_ =	shalt  }
0x49: {  	_ =	shalt  }
0x4a: {  	_ =	shalt  }
0x4b: {  	_ =	shalt  }
0x4c: {  	_ =	shalt  }
0x4d: {  	_ =	shalt  }
0x4e: {  	_ =	shalt  }
0x4f: {  	_ =	shalt  }
0x50: {  	_ =	shalt  }
0x51: {  	_ =	shalt  }
0x52: {  	_ =	shalt  }
0x53: {  	_ =	shalt  }
0x54: {  	_ =	shalt  }
0x55: {  	_ =	shalt  }
0x56: {  	_ =	shalt  }
0x57: {  	_ =	shalt  }
0x58: {  	_ =	shalt  }
0x59: {  	_ =	shalt  }
0x5a: {  	_ =	shalt  }
0x5b: {  	_ =	shalt  }
0x5c: {  	_ =	shalt  }
0x5d: {  	_ =	shalt  }
0x5e: {  	_ =	shalt  }
0x5f: {  	_ =	shalt  }
0x60: {  	_ =	shalt  }
0x61: {  	_ =	shalt  }
0x62: {  	_ =	shalt  }
0x63: {  	_ =	shalt  }
0x64: {  	_ =	shalt  }
0x65: {  	_ =	shalt  }
0x66: {  	_ =	shalt  }
0x67: {  	_ =	shalt  }
0x68: {  	_ =	shalt  }
0x69: {  	_ =	shalt  }
0x6a: {  	_ =	shalt  }
0x6b: {  	_ =	shalt  }
0x6c: {  	_ =	shalt  }
0x6d: {  	_ =	shalt  }
0x6e: {  	_ =	shalt  }
0x6f: {  	_ =	shalt  }
0x70: {  	_ =	shalt  }
0x71: {  	_ =	shalt  }
0x72: {  	_ =	shalt  }
0x73: {  	_ =	shalt  }
0x74: {  	_ =	shalt  }
0x75: {  	_ =	shalt  }
0x76: {  	_ =	shalt  }
0x77: {  	_ =	shalt  }
0x78: {  	_ =	shalt  }
0x79: {  	_ =	shalt  }
0x7a: {  	_ =	shalt  }
0x7b: {  	_ =	shalt  }
0x7c: {  	_ =	shalt  }
0x7d: {  	_ =	shalt  }
0x7e: {  	_ =	shalt  }
0x7f: {  	_ =	shalt  }
0x80: {  	_ =	shalt  }
0x81: {  	_ =	shalt  }
0x82: {  	_ =	shalt  }
0x83: {  	_ =	shalt  }
0x84: {  	_ =	shalt  }
0x85: {  	_ =	shalt  }
0x86: {  	_ =	shalt  }
0x87: {  	_ =	shalt  }
.Lfunc_end0:
.L_simem_size_0:
called_computation_lowered:
.L_overlay_start_0:
0x88: {  	s2 =	sld [smem:$0x3FD9]  }
0x89: {  	s3 =	sld [smem:$0x3FFE];
	_ =	sdelay $0x1  }
0x8a: {  	s1 =	srdreg.scid  }
0x8b: {  	s0 =	sand.u32 $0x1, s1  }
0x8c: {  	s18 =	sshll.u32 s0, $0xA;
	s2 =	sadd.s32 s3, s2  }
0x8d: {  	s2 =	sadd.s32 s2, s18  }
0x8e: {  	[smem:$0x3FC5] =	sst s2  }
0x8f: {  	_ = 	snop  }
0x90: {  	s2 =	sld [smem:$0x3FC9]  }
0x91: {  	s19 =	sld [smem:$0x3FC8]  }
0x92: {  	s4 =	sld [smem:$0x3FC7]  }
0x93: {  	s5 =	sld [smem:$0x3FD0];
	(tm) =	ssettm $0x1  }
0x94: {  	s6 =	sld [smem:$0x3FFB];
	_ =	sdelay $0x3  }
0x95: {  	_ =	strace s6  }
0x96: {  	s6 =	sld [smem:$0x3FFC];
	_ =	sdelay $0x3  }
0x97: {  	_ =	strace s6  }
0x98: {  	s6 =	sld [smem:$0x3FFD];
	_ =	sdelay $0x3  }
0x99: {  	_ =	strace s6  }
0x9a: {  	_ =	strace $0x8FFFFFFF  }
0x9b: {  	s20 =	sld [smem:$0x3FDB];
	_ =	sdelay $0x1  }
0x9c: {  	s7 =	simm.s32 $_scs_section_size  }
0x9d: {  	s8 =	simm.s32 $_size__tile_overlayer_lowered;
	s9 =	simm.s32 $_tile_overlayer_lowered  }
0x9e: {  	s23 =	simm.s32 $0x1BFF;
	s22 =	sshll.u32 s9, $0x1;
	s6 =	sadd.s32 s7, s20  }
0x9f: {  	s10 =	simm.s32 $0x0;
	s21 =	sshll.u32 s8, $0x1;
	s8 =	sadd.s32 s22, s6  }
0xa0: {  	[timem:s10], [sflag:s23] =	dma.local [hbm:s8], s21  }
0xa1: {  	_ =	swait.ge [sflag:s23], s21  }
0xa2: {  	s7 =	ssub.s32 $0x0, s21;
	[sflag:s23] =	ssyncset.done $0x0  }
0xa3: {  	[sflag:s23] =	ssyncadd.s32 s7;
	_ =	sdelay $0x1  }
0xa4: {  	s24 =	simm.s32 $0x1B8B  }
0xa5: {  	_ =	swait.ge [sflag:s24], $0x1  }
0xa6: {  	[sflag:s24] =	ssyncset.done $0x0  }
0xa7: {  	s25 =	simm.s32 $0x1B8E;
	[sflag:s24] =	ssyncadd.s32 $0xFFFFFFFF  }
0xa8: {  	s26 =	simm.s32 $execute0_lowered;
	[smem:$0x3FD2] =	sst s25  }
0xa9: {  	s7 =	sshll.u32 s26, $0x1;
	_ =	strace $0x80000046;
	[dreg:$0x1] =	wrdreg $0xFFFFFFFF  }
0xaa: {  	s28 =	simm.s32 $_size_execute0_lowered;
	s6 =	sadd.s32 s6, s7;
	[dreg:$0x0] =	wrdreg $0x0  }
0xab: {  	s7 =	sshll.u32 s28, $0x1;
	[dreg:$0x2] =	wrdreg s6  }
0xac: {  	[dreg:$0x3] =	wrdreg s7  }
0xad: {  	[dreg:$0x4] =	wrdreg $0xC0  }
0xae: {  	_ =	task [dreg:s10], $0x5FFFF  }
0xaf: {  	[dreg:$0x1] =	wrdreg $0xFFFFFFFF  }
0xb0: {  	[dreg:$0x0] =	wrdreg $0x60  }
0xb1: {  	[dreg:$0x2] =	wrdreg s2  }
0xb2: {  	[dreg:$0x3] =	wrdreg s19  }
0xb3: {  	[dreg:$0x4] =	wrdreg s4  }
0xb4: {  	[dreg:$0x5] =	wrdreg s5  }
0xb5: {  	[dreg:$0x6] =	wrdreg $0xBC000  }
0xb6: {  	[dreg:$0x7] =	wrdreg $0x9  }
0xb7: {  	_ =	task.clear_ibuf [dreg:s10], $0x8FFFF;
	_ =	strace $0x90000046  }
0xb8: {  	s29 =	simm.s32 $0x9;
	_ =	strace $0x80000048  }
0xb9: {  	_ =	swait.ge [sflag:s29], $0x1  }
0xba: {  	[sflag:s29] =	ssyncadd.s32 $0xFFFFFFFF  }
0xbb: {  	_ =	strace $0x90000048  }
0xbc: {  	_ =	sfence  }
0xbd: {  	s30 =	sld [smem:$0x0];
	_ =	sdelay $0x2  }
0xbe: {  	s31 =	sshll.u32 s1, $0xD;
	s1 =	sshrl.u32 s1, $0x2  }
0xbf: {  	s3 =	sand.u32 $0x4000, s31;
	s1 =	sadd.s32 s1, s30  }
0xc0: {  	s0 =	sor.u32 s3, s0;
	s1 =	sshll.u32 s1, $0x11  }
0xc1: {  	s0 =	sor.u32 s1, s0  }
0xc2: {  	s0 =	sadd.s32 $0x8F2B, s0  }
0xc3: {  	[sflag:s0] =	ssyncadd.remote.s32 $0x1  }
0xc4: {  	_ =	sfence.sel $0xFFFF  }
0xc5: {  	[dreg:$0x0] =	wrdreg $0xFFFFFFFF;
	(pc) =	sbr.abs _section_cstart, $3  }
0xc6: {  	[dreg:$0x1] =	wrdreg $0xFFFFFFFF  }
0xc7: {  	_ =	task.clear_ibuf [dreg:s10], $0x2FFFF;
	_ =	strace $0x9FFFFFFF  }
0xc8: {  	(tm) =	ssettm $0x7FFFFFFF  }
0xc9: {  	_ =	shalt  }
tec
execute0_lowered:
.L_overlay_start_1:
0x0: {  	(tag) =	ssettag $0x1  }
0x1: {  	s0 =	rddreg [dreg:$0x0]  }
0x2: {  	s1 =	rddreg [dreg:$0x1]  }
0x3: {  	s4 =	rddreg [dreg:$0x2]  }
0x4: {  	s2 =	srdreg.scid;
	s5 =	rddreg [dreg:$0x3]  }
0x5: {  	s11 =	stileid.u32;
	s3 =	rddreg [dreg:$0x4];
	s2 =	sand.u32 $0x1, s2  }
0x6: {  	s7 =	simm.s32 $0x0;
	s8 =	smul.u32 $0x4E000, s11;
	s18 =	ssub.s32 $0x2, s2  }
0x7: {  	[smem:$0x7FF] =	sst s7;
	s21 =	sadd.s32 $0x138000, s3;
	s9 =	sshrl.u32 s18, $0x1  }
0x8: {  	_ =	strace $0x80000047;
	s19 =	sshrl.u32 s8, $0x2;
	s9 =	ssub.s32 s18, s9  }
0x9: {  	[dreg:$0x8] =	wrdreg s21;
	s7 =	sadd.s32 s19, s3;
	s23 =	smax.u32 s9, $0x1  }
0xa: {  	s28 =	simm.s32 $0x1;
	s24 =	sadd.s32 $0x800, s7;
	[dreg:$0xc] =	wrdreg s23  }
0xb: {  	s10 =	smul.u32 $0x13800, s11;
	s25 =	sadd.s32 $0x1000, s7;
	[dreg:$0xd] =	wrdreg s24  }
0xc: {  	s6 =	sshll.u32 s2, $0x4;
	s26 =	sadd.s32 $0x1800, s7;
	[dreg:$0xe] =	wrdreg s25  }
0xd: {  	s2 =	smul.u32 $0x138800, s2;
	s8 =	sadd.s32 $0x3800, s7;
	[dreg:$0xf] =	wrdreg s26  }
0xe: {  	s29 =	simm.s32 $0x7D;
	s9 =	sadd.s32 $0x4000, s7;
	[dreg:$0x13] =	wrdreg s8  }
0xf: {  	s20 =	sadd.s32 s10, s2;
	s10 =	sadd.s32 $0x4800, s7;
	[dreg:$0x14] =	wrdreg s9  }
0x10: {  	s30 =	simm.s32 $0x7C00;
	s12 =	sadd.s32 $0x5000, s7;
	[dreg:$0x15] =	wrdreg s10  }
0x11: {  	s31 =	simm.s32 $0x4;
	s13 =	sadd.s32 $0x5800, s7;
	[dreg:$0x16] =	wrdreg s12  }
0x12: {  	p0 =	seq.s32 s11, $0xF;
	s14 =	sadd.s32 $0x6000, s7;
	[dreg:$0x17] =	wrdreg s13  }
0x13: {  	p1 =	sne.s32 s11, $0xF;
	s15 =	sadd.s32 $0x6800, s7;
	[dreg:$0x18] =	wrdreg s14  }
0x14: {  	s6 =	sor.u32 s11, s6;
	s16 =	sadd.s32 $0x7000, s7;
	[dreg:$0x1a] =	wrdreg s15  }
0x15: {  	s6 =	smul.u32 $0x2800, s6;
	s17 =	sadd.s32 $0x7800, s7;
	[dreg:$0x1b] =	wrdreg s16  }
0x16: {  	s2 =	sshrl.u32 s2, $0x3;
	s18 =	sadd.s32 $0x8000, s7;
	[dreg:$0x1c] =	wrdreg s17  }
0x17: {  	s2 =	sadd.s32 s5, s2;
	s19 =	sadd.s32 $0x8800, s7;
	[dreg:$0x1d] =	wrdreg s18  }
0x18: {  	s21 =	sadd.s32 $0x9800, s7;
	s11 =	sadd.s32 $0xC800, s7;
	[dreg:$0x1e] =	wrdreg s19  }
0x19: {  	s6 =	sshrl.u32 s6, $0x3;
	s22 =	sadd.s32 $0x24900, s2;
	[smem:$0x7F8] =	sst s21  }
0x1a: {  	s23 =	sadd.s32 $0xA800, s7;
	s24 =	sadd.s32 $0xB000, s7;
	s25 =	sadd.s32 $0xB800, s7  }
0x1b: {  	s26 =	sadd.s32 $0xC000, s7;
	s12 =	sadd.s32 $0xD800, s7;
	s13 =	sadd.s32 $0xE000, s7  }
0x1c: {  	s14 =	sadd.s32 $0xE800, s7;
	s15 =	sadd.s32 $0xF000, s7;
	[dreg:$0xb] =	wrdreg s22  }
0x1d: {  	s16 =	sadd.s32 $0xF800, s7;
	s17 =	sadd.s32 $0x10000, s7;
	[smem:$0x7FA] =	sst s23  }
0x1e: {  	s18 =	sadd.s32 $0x10800, s7;
	s19 =	sadd.s32 $0x11000, s7;
	[smem:$0x7FB] =	sst s24  }
0x1f: {  	s21 =	sadd.s32 $0x12000, s7;
	s2 =	simm.s32 $0x3;
	[smem:$0x7FC] =	sst s25  }
0x20: {  	s1 =	sadd.s32 s1, s6;
	s4 =	sadd.s32 s4, s6;
	[smem:$0x7FD] =	sst s26  }
0x21: {  	s6 =	sadd.s32 $0x3000, s7;
	s22 =	sadd.s32 $0xA000, s7;
	[dreg:$0x6] =	wrdreg s1  }
0x22: {  	s23 =	sadd.s32 $0x13000, s7;
	s24 =	simm.s32 $0x2800;
	[dreg:$0x7] =	wrdreg s4  }
0x23: {  	s25 =	simm.s32 $0x3C00;
	s26 =	simm.s32 $0x2;
	[dreg:$0x12] =	wrdreg s6  }
0x24: {  	s1 =	sshrl.u32 s20, $0x3;
	s4 =	sadd.s32 $0x280, s4;
	[smem:$0x7F9] =	sst s22  }
0x25: {  	s20 =	sadd.s32 $0x9000, s7;
	s6 =	sadd.s32 $0xD000, s7;
	[dreg:$0x9] =	wrdreg s4  }
0x26: {  	s22 =	sadd.s32 $0x12800, s7;
	s1 =	sadd.s32 s5, s1;
	[dreg:$0x1f] =	wrdreg s20  }
0x27: {  	s4 =	sadd.s32 $0x2000, s7;
	s5 =	sadd.s32 $0x2800, s7;
	[dreg:$0xa] =	wrdreg s1  }
0x28: {  	s20 =	sadd.s32 $0x11800, s7;
	s1 =	sadd.s32 $0x124800, s3;
	[dreg:$0x10] =	wrdreg s4  }
0x29: {  	[dreg:$0x11] =	wrdreg s5;
	s4 =	simm.s32 $0x3B80;
	s1 =	sshrl.u32 @p0 s1, $0x3  }
0x2a: {  	v0 =	vimm.f32 $0.0e+00;
	s5 =	simm.s32 $0x0;
	[dreg:$0x19] =	wrdreg s1;
	s1 =	simm.s32 $0x3B00  }
.LBB2_1:
0x2b: {  	s8 =	simm.s32 $0x0;
	s9 =	rddreg [dreg:$0x6]  }
0x2c: {  	[tilespmem:s8], [sflag:$0x1] =	stream.linear.gather [hbm4b:s9+s8], $0x2800, $0x38;
	[tilespmem:$0x1F480] =	vst v63  }
0x2d: {  	s10 =	rddreg [dreg:$0x7]  }
0x2e: {  	[tilespmem:s24], [sflag:$0x1] =	stream.linear.gather [hbm4b:s10+s8], $0x1400, $0x38;
	[tilespmem:$0x1F480] =	vst v63  }
0x2f: {  	s9 =	simm.s32 $0x200;
	s8 =	simm.s32 $0x0  }
.LBB2_2:
0x30: {  	p2 =	sne.s32 s9, $0x1E00;
	[tilespmem:s8+$0x3C70] =	vst v0  }
0x31: {  	[tilespmem:s8+$0x3C00] =	vst v0  }
0x32: {  	[tilespmem:s8+$0x3C10] =	vst v0  }
.Ltmp0:
0x33: {  	[tilespmem:s8+$0x3C20] =	vst v0;
	(pc) =	sbr.rel @p2 .LBB2_2-.Ltmp0, $4  }
0x34: {  	[tilespmem:s8+$0x3C30] =	vst v0  }
0x35: {  	[tilespmem:s8+$0x3C40] =	vst v0  }
0x36: {  	[tilespmem:s8+$0x3C50] =	vst v0  }
0x37: {  	[tilespmem:s8+$0x3C60] =	vst v0;
	s8 =	sshra.s32 s9, $0x2;
	s9 =	sadd.s32 $0x200, s9  }
0x38: {  	[tilespmem:s8+$0x3C70] =	vst v0  }
0x39: {  	[tilespmem:s8+$0x3C00] =	vst v0  }
0x3a: {  	[tilespmem:s8+$0x3C10] =	vst v0  }
0x3b: {  	[tilespmem:s8+$0x3C20] =	vst v0  }
0x3c: {  	[tilespmem:s8+$0x3C30] =	vst v0  }
0x3d: {  	[tilespmem:s8+$0x3C40] =	vst v0  }
0x3e: {  	[tilespmem:s8+$0x3C50] =	vst v0  }
0x3f: {  	[tilespmem:s8+$0x3C60] =	vst v0;
	s9 =	rddreg [dreg:$0xd]  }
0x40: {  	[spmem:s7] =	stream.linear.scatter [tilespmem:s25], [sflag:$0x2], $0x800, $0x38;
	[tilespmem:$0x1F480] =	vst v63  }
0x41: {  	s10 =	rddreg [dreg:$0xe]  }
0x42: {  	[spmem:s9] =	stream.linear.scatter [tilespmem:s25], [sflag:$0x2], $0x800, $0x38;
	[tilespmem:$0x1F480] =	vst v63  }
0x43: {  	s9 =	rddreg [dreg:$0xf]  }
0x44: {  	[spmem:s10] =	stream.linear.scatter [tilespmem:s25], [sflag:$0x2], $0x800, $0x38;
	[tilespmem:$0x1F480] =	vst v63  }
0x45: {  	s10 =	rddreg [dreg:$0x10]  }
0x46: {  	[spmem:s9] =	stream.linear.scatter [tilespmem:s25], [sflag:$0x2], $0x800, $0x38;
	[tilespmem:$0x1F480] =	vst v63  }
0x47: {  	s9 =	rddreg [dreg:$0x11]  }
0x48: {  	[spmem:s10] =	stream.linear.scatter [tilespmem:s25], [sflag:$0x2], $0x800, $0x38;
	[tilespmem:$0x1F480] =	vst v63  }
0x49: {  	s10 =	rddreg [dreg:$0x12]  }
0x4a: {  	[spmem:s9] =	stream.linear.scatter [tilespmem:s25], [sflag:$0x2], $0x800, $0x38;
	[tilespmem:$0x1F480] =	vst v63  }
0x4b: {  	s9 =	rddreg [dreg:$0x13]  }
0x4c: {  	[spmem:s10] =	stream.linear.scatter [tilespmem:s25], [sflag:$0x2], $0x800, $0x38;
	[tilespmem:$0x1F480] =	vst v63  }
0x4d: {  	s10 =	rddreg [dreg:$0x14]  }
0x4e: {  	[spmem:s9] =	stream.linear.scatter [tilespmem:s25], [sflag:$0x2], $0x800, $0x38;
	[tilespmem:$0x1F480] =	vst v63  }
0x4f: {  	s9 =	rddreg [dreg:$0x15]  }
0x50: {  	[spmem:s10] =	stream.linear.scatter [tilespmem:s25], [sflag:$0x2], $0x800, $0x38;
	[tilespmem:$0x1F480] =	vst v63  }
0x51: {  	s10 =	rddreg [dreg:$0x16]  }
0x52: {  	[spmem:s9] =	stream.linear.scatter [tilespmem:s25], [sflag:$0x2], $0x800, $0x38;
	[tilespmem:$0x1F480] =	vst v63  }
0x53: {  	s9 =	rddreg [dreg:$0x17]  }
0x54: {  	[spmem:s10] =	stream.linear.scatter [tilespmem:s25], [sflag:$0x2], $0x800, $0x38;
	[tilespmem:$0x1F480] =	vst v63  }
0x55: {  	s10 =	rddreg [dreg:$0x18]  }
0x56: {  	[spmem:s9] =	stream.linear.scatter [tilespmem:s25], [sflag:$0x2], $0x800, $0x38;
	[tilespmem:$0x1F480] =	vst v63  }
0x57: {  	s9 =	rddreg [dreg:$0x1a]  }
0x58: {  	[spmem:s10] =	stream.linear.scatter [tilespmem:s25], [sflag:$0x2], $0x800, $0x38;
	[tilespmem:$0x1F480] =	vst v63  }
0x59: {  	s10 =	rddreg [dreg:$0x1b]  }
0x5a: {  	[spmem:s9] =	stream.linear.scatter [tilespmem:s25], [sflag:$0x2], $0x800, $0x38;
	[tilespmem:$0x1F480] =	vst v63  }
0x5b: {  	s9 =	rddreg [dreg:$0x1c]  }
0x5c: {  	[spmem:s10] =	stream.linear.scatter [tilespmem:s25], [sflag:$0x2], $0x800, $0x38;
	[tilespmem:$0x1F480] =	vst v63  }
0x5d: {  	s10 =	rddreg [dreg:$0x1d]  }
0x5e: {  	[spmem:s9] =	stream.linear.scatter [tilespmem:s25], [sflag:$0x2], $0x800, $0x38;
	[tilespmem:$0x1F480] =	vst v63  }
0x5f: {  	s9 =	rddreg [dreg:$0x1e]  }
0x60: {  	[spmem:s10] =	stream.linear.scatter [tilespmem:s25], [sflag:$0x2], $0x800, $0x38;
	[tilespmem:$0x1F480] =	vst v63  }
0x61: {  	s10 =	rddreg [dreg:$0x1f]  }
0x62: {  	[spmem:s9] =	stream.linear.scatter [tilespmem:s25], [sflag:$0x2], $0x800, $0x38;
	[tilespmem:$0x1F480] =	vst v63  }
0x63: {  	s9 =	sld [smem:$0x7F8]  }
0x64: {  	[spmem:s10] =	stream.linear.scatter [tilespmem:s25], [sflag:$0x2], $0x800, $0x38;
	[tilespmem:$0x1F480] =	vst v63  }
0x65: {  	s10 =	sld [smem:$0x7F9]  }
0x66: {  	[spmem:s9] =	stream.linear.scatter [tilespmem:s25], [sflag:$0x2], $0x800, $0x38;
	[tilespmem:$0x1F480] =	vst v63  }
0x67: {  	s9 =	sld [smem:$0x7FA]  }
0x68: {  	[spmem:s10] =	stream.linear.scatter [tilespmem:s25], [sflag:$0x2], $0x800, $0x38;
	[tilespmem:$0x1F480] =	vst v63  }
0x69: {  	s10 =	sld [smem:$0x7FB]  }
0x6a: {  	[spmem:s9] =	stream.linear.scatter [tilespmem:s25], [sflag:$0x2], $0x800, $0x38;
	[tilespmem:$0x1F480] =	vst v63  }
0x6b: {  	s9 =	sld [smem:$0x7FC]  }
0x6c: {  	[spmem:s10] =	stream.linear.scatter [tilespmem:s25], [sflag:$0x2], $0x800, $0x38;
	[tilespmem:$0x1F480] =	vst v63  }
0x6d: {  	s10 =	sld [smem:$0x7FD]  }
0x6e: {  	[spmem:s9] =	stream.linear.scatter [tilespmem:s25], [sflag:$0x2], $0x800, $0x38;
	[tilespmem:$0x1F480] =	vst v63  }
0x6f: {  	_ = 	snop  }
0x70: {  	[spmem:s10] =	stream.linear.scatter [tilespmem:s25], [sflag:$0x2], $0x800, $0x38;
	[tilespmem:$0x1F480] =	vst v63  }
0x71: {  	_ = 	snop  }
0x72: {  	[spmem:s11] =	stream.linear.scatter [tilespmem:s25], [sflag:$0x2], $0x800, $0x38;
	[tilespmem:$0x1F480] =	vst v63  }
0x73: {  	_ = 	snop  }
0x74: {  	[spmem:s6] =	stream.linear.scatter [tilespmem:s25], [sflag:$0x2], $0x800, $0x38;
	[tilespmem:$0x1F480] =	vst v63  }
0x75: {  	_ = 	snop  }
0x76: {  	[spmem:s12] =	stream.linear.scatter [tilespmem:s25], [sflag:$0x2], $0x800, $0x38;
	[tilespmem:$0x1F480] =	vst v63  }
0x77: {  	_ = 	snop  }
0x78: {  	[spmem:s13] =	stream.linear.scatter [tilespmem:s25], [sflag:$0x2], $0x800, $0x38;
	[tilespmem:$0x1F480] =	vst v63  }
0x79: {  	_ = 	snop  }
0x7a: {  	[spmem:s14] =	stream.linear.scatter [tilespmem:s25], [sflag:$0x2], $0x800, $0x38;
	[tilespmem:$0x1F480] =	vst v63  }
0x7b: {  	_ = 	snop  }
0x7c: {  	[spmem:s15] =	stream.linear.scatter [tilespmem:s25], [sflag:$0x2], $0x800, $0x38;
	[tilespmem:$0x1F480] =	vst v63  }
0x7d: {  	_ = 	snop  }
0x7e: {  	[spmem:s16] =	stream.linear.scatter [tilespmem:s25], [sflag:$0x2], $0x800, $0x38;
	[tilespmem:$0x1F480] =	vst v63  }
0x7f: {  	_ = 	snop  }
0x80: {  	[spmem:s17] =	stream.linear.scatter [tilespmem:s25], [sflag:$0x2], $0x800, $0x38;
	[tilespmem:$0x1F480] =	vst v63  }
0x81: {  	_ = 	snop  }
0x82: {  	[spmem:s18] =	stream.linear.scatter [tilespmem:s25], [sflag:$0x2], $0x800, $0x38;
	[tilespmem:$0x1F480] =	vst v63  }
0x83: {  	_ = 	snop  }
0x84: {  	[spmem:s19] =	stream.linear.scatter [tilespmem:s25], [sflag:$0x2], $0x800, $0x38;
	[tilespmem:$0x1F480] =	vst v63  }
0x85: {  	_ = 	snop  }
0x86: {  	[spmem:s20] =	stream.linear.scatter [tilespmem:s25], [sflag:$0x2], $0x800, $0x38;
	[tilespmem:$0x1F480] =	vst v63  }
0x87: {  	_ = 	snop  }
0x88: {  	[spmem:s21] =	stream.linear.scatter [tilespmem:s25], [sflag:$0x2], $0x800, $0x38;
	[tilespmem:$0x1F480] =	vst v63  }
0x89: {  	_ = 	snop  }
0x8a: {  	[spmem:s22] =	stream.linear.scatter [tilespmem:s25], [sflag:$0x2], $0x800, $0x38;
	[tilespmem:$0x1F480] =	vst v63  }
0x8b: {  	_ = 	snop  }
0x8c: {  	[spmem:s23] =	stream.linear.scatter [tilespmem:s25], [sflag:$0x2], $0x800, $0x38;
	[tilespmem:$0x1F480] =	vst v63  }
0x8d: {  	s8 =	simm.s32 @!p1 $0x3C00;
	s9 =	rddreg [dreg:$0x8]  }
0x8e: {  	[spmem:s9] =	stream.linear.scatter @!p1 [tilespmem:s8], [sflag:$0x2], $0x800, $0x38;
	[tilespmem:$0x1F480] =	vst v63  }
0x8f: {  	_ =	swait.ge [sflag:s26], $0x800  }
0x90: {  	s8 =	simm.s32 $0x26;
	[sflag:s26] =	ssyncset.done $0x0  }
.LBB2_4:
0x91: {  	p2 =	sne.s32 s8, $0x1;
	s8 =	sadd.s32 $0xFFFFFFFF, s8;
	[sflag:s26] =	ssyncadd.s32 $0xFFFFF800  }
.Ltmp1:
0x92: {  	(pc) =	sbr.rel @p2 .LBB2_4-.Ltmp1, $3  }
0x93: {  	_ =	sdelay $0x1  }
0x94: {  	_ =	swait.ge [sflag:s26], $0x800  }
0x95: {  	[sflag:s26] =	ssyncset.done $0x0  }
0x96: {  	[sflag:s26] =	ssyncadd.s32 $0xFFFFF800;
	s8 =	simm.s32 @!p1 $0x2  }
0x97: {  	_ =	swait.ge @!p1 [sflag:s8], $0x800  }
0x98: {  	[sflag:s8] =	ssyncset.done @!p1 $0x0  }
0x99: {  	[sflag:s8] =	ssyncadd.s32 @!p1 $0xFFFFF800  }
0x9a: {  	_ =	swait.ge [sflag:s28], $0x2800  }
0x9b: {  	[sflag:s28] =	ssyncset.done $0x0  }
0x9c: {  	[sflag:s28] =	ssyncadd.s32 $0xFFFFD800  }
0x9d: {  	_ =	swait.ge [sflag:s28], $0x1400  }
0x9e: {  	[sflag:s28] =	ssyncset.done $0x0  }
0x9f: {  	[sflag:s28] =	ssyncadd.s32 $0xFFFFEC00  }
0xa0: {  	s10 =	simm.s32 $0x0;
	[bflag:$0x0] =	sbarrier.arrive $0xFFFF  }
0xa1: {  	[tilespmem:s25], [sflag:$0x2] =	stream.indirect.gather [hbm4b:s0+s29], $0x80, s10, s29, $0xb8;
	[tilespmem:$0x1F480] =	vst v63  }
0xa2: {  	_ =	swait.ge [sflag:s26], $0x3E80  }
0xa3: {  	[sflag:s26] =	ssyncset.done $0x0  }
0xa4: {  	s9 =	simm.s32 $0x80;
	[sflag:s26] =	ssyncadd.s32 $0xFFFFC180  }
0xa5: {  	[tilespmem:s30], [sflag:$0x3] =	stream.indirect.gather [hbm4b:s0+s29], $0x80, s9, s29, $0xb8;
	[tilespmem:$0x1F480] =	vst v63  }
0xa6: {  	s10 =	simm.s32 $0x2800  }
0xa7: {  	[spmem:s3] =	stream.indirect.scatter.add.f32 [tilespmem:s25], [sflag:$0x4], $0x80, s10, s29, $0xb8;
	[tilespmem:$0x1F480] =	vst v63  }
0xa8: {  	_ =	swait.ge [sflag:s31], $0x3E80  }
0xa9: {  	[sflag:s31] =	ssyncset.done $0x0  }
0xaa: {  	[sflag:s31] =	ssyncadd.s32 $0xFFFFC180  }
0xab: {  	_ =	swait.ge [sflag:s2], $0x3E80  }
0xac: {  	[sflag:s2] =	ssyncset.done $0x0  }
0xad: {  	s9 =	simm.s32 $0x100;
	[sflag:s2] =	ssyncadd.s32 $0xFFFFC180  }
0xae: {  	[tilespmem:s25], [sflag:$0x2] =	stream.indirect.gather [hbm4b:s0+s29], $0x80, s9, s29, $0xb8;
	[tilespmem:$0x1F480] =	vst v63  }
0xaf: {  	s10 =	simm.s32 $0x2880  }
0xb0: {  	[spmem:s3] =	stream.indirect.scatter.add.f32 [tilespmem:s30], [sflag:$0x4], $0x80, s10, s29, $0xb8;
	[tilespmem:$0x1F480] =	vst v63  }
0xb1: {  	_ =	swait.ge [sflag:s31], $0x3E80  }
0xb2: {  	s8 =	simm.s32 $0x400;
	[sflag:s31] =	ssyncset.done $0x0  }
.LBB2_6:
0xb3: {  	p2 =	sne.s32 s8, $0x4800  }
0xb4: {  	[sflag:s31] =	ssyncadd.s32 $0xFFFFC180;
	s9 =	smov.u32 s8;
	s8 =	sadd.s32 $0x400, s8  }
0xb5: {  	_ = 	snop  }
0xb6: {  	_ =	swait.ge [sflag:s26], $0x3E80  }
0xb7: {  	s9 =	sshra.s32 s9, $0x2;
	[sflag:s26] =	ssyncset.done $0x0  }
0xb8: {  	s10 =	sadd.s32 $0x80, s9;
	[sflag:s26] =	ssyncadd.s32 $0xFFFFC180  }
0xb9: {  	[tilespmem:s30], [sflag:$0x3] =	stream.indirect.gather [hbm4b:s0+s29], $0x80, s10, s29, $0xb8;
	[tilespmem:$0x1F480] =	vst v63  }
0xba: {  	s10 =	sadd.s32 $0x2800, s9  }
0xbb: {  	[spmem:s3] =	stream.indirect.scatter.add.f32 [tilespmem:s25], [sflag:$0x4], $0x80, s10, s29, $0xb8;
	[tilespmem:$0x1F480] =	vst v63  }
0xbc: {  	_ =	swait.ge [sflag:s31], $0x3E80  }
0xbd: {  	[sflag:s31] =	ssyncset.done $0x0  }
0xbe: {  	[sflag:s31] =	ssyncadd.s32 $0xFFFFC180  }
0xbf: {  	_ =	swait.ge [sflag:s2], $0x3E80  }
0xc0: {  	[sflag:s2] =	ssyncset.done $0x0  }
0xc1: {  	s10 =	sadd.s32 $0x100, s9;
	[sflag:s2] =	ssyncadd.s32 $0xFFFFC180  }
0xc2: {  	[tilespmem:s25], [sflag:$0x2] =	stream.indirect.gather [hbm4b:s0+s29], $0x80, s10, s29, $0xb8;
	[tilespmem:$0x1F480] =	vst v63  }
.Ltmp2:
0xc3: {  	_ = 	snop;
	(pc) =	sbr.rel @p2 .LBB2_6-.Ltmp2, $4  }
0xc4: {  	s9 =	sadd.s32 $0x2880, s9  }
0xc5: {  	[spmem:s3] =	stream.indirect.scatter.add.f32 [tilespmem:s30], [sflag:$0x4], $0x80, s9, s29, $0xb8;
	[tilespmem:$0x1F480] =	vst v63  }
0xc6: {  	_ =	swait.ge [sflag:s31], $0x3E80  }
0xc7: {  	[sflag:s31] =	ssyncset.done $0x0  }
0xc8: {  	[sflag:s31] =	ssyncadd.s32 $0xFFFFC180  }
0xc9: {  	_ =	swait.ge [sflag:s26], $0x3E80  }
0xca: {  	[sflag:s26] =	ssyncset.done $0x0  }
0xcb: {  	s8 =	simm.s32 $0x1380;
	[sflag:s26] =	ssyncadd.s32 $0xFFFFC180  }
0xcc: {  	[tilespmem:s30], [sflag:$0x3] =	stream.indirect.gather [hbm4b:s0+s29], $0x80, s8, s29, $0xb8;
	[tilespmem:$0x1F480] =	vst v63  }
0xcd: {  	_ = 	snop  }
0xce: {  	[spmem:s3] =	stream.indirect.scatter.add.f32 [tilespmem:s25], [sflag:$0x4], $0x80, s1, s29, $0xb8;
	[tilespmem:$0x1F480] =	vst v63  }
0xcf: {  	_ =	swait.ge [sflag:s31], $0x3E80  }
0xd0: {  	[sflag:s31] =	ssyncset.done $0x0  }
0xd1: {  	[sflag:s31] =	ssyncadd.s32 $0xFFFFC180  }
0xd2: {  	_ =	swait.ge [sflag:s2], $0x3E80  }
0xd3: {  	[sflag:s2] =	ssyncset.done $0x0  }
0xd4: {  	[sflag:s2] =	ssyncadd.s32 $0xFFFFC180  }
0xd5: {  	[spmem:s3] =	stream.indirect.scatter.add.f32 [tilespmem:s30], [sflag:$0x4], $0x80, s4, s29, $0xb8;
	[tilespmem:$0x1F480] =	vst v63  }
0xd6: {  	_ =	swait.ge [sflag:s31], $0x3E80  }
0xd7: {  	[sflag:s31] =	ssyncset.done $0x0  }
0xd8: {  	s10 =	simm.s32 $0x0;
	s9 =	rddreg [dreg:$0x9];
	[sflag:s31] =	ssyncadd.s32 $0xFFFFC180  }
0xd9: {  	[tilespmem:s24], [sflag:$0x4] =	stream.linear.gather [hbm4b:s9+s10], $0x1400, $0x38;
	[tilespmem:$0x1F480] =	vst v63  }
0xda: {  	_ =	swait.ge [sflag:s31], $0x1400  }
0xdb: {  	[sflag:s31] =	ssyncset.done $0x0  }
0xdc: {  	s10 =	simm.s32 $0x1400;
	[sflag:s31] =	ssyncadd.s32 $0xFFFFEC00  }
0xdd: {  	[tilespmem:s25], [sflag:$0x2] =	stream.indirect.gather [hbm4b:s0+s29], $0x80, s10, s29, $0xb8;
	[tilespmem:$0x1F480] =	vst v63  }
0xde: {  	_ =	swait.ge [sflag:s26], $0x3E80  }
0xdf: {  	[sflag:s26] =	ssyncset.done $0x0  }
0xe0: {  	s9 =	simm.s32 $0x1480;
	[sflag:s26] =	ssyncadd.s32 $0xFFFFC180  }
0xe1: {  	[tilespmem:s30], [sflag:$0x3] =	stream.indirect.gather [hbm4b:s0+s29], $0x80, s9, s29, $0xb8;
	[tilespmem:$0x1F480] =	vst v63  }
0xe2: {  	s10 =	simm.s32 $0x2800  }
0xe3: {  	[spmem:s3] =	stream.indirect.scatter.add.f32 [tilespmem:s25], [sflag:$0x4], $0x80, s10, s29, $0xb8;
	[tilespmem:$0x1F480] =	vst v63  }
0xe4: {  	_ =	swait.ge [sflag:s31], $0x3E80  }
0xe5: {  	[sflag:s31] =	ssyncset.done $0x0  }
0xe6: {  	[sflag:s31] =	ssyncadd.s32 $0xFFFFC180  }
0xe7: {  	_ =	swait.ge [sflag:s2], $0x3E80  }
0xe8: {  	[sflag:s2] =	ssyncset.done $0x0  }
0xe9: {  	s9 =	simm.s32 $0x1500;
	[sflag:s2] =	ssyncadd.s32 $0xFFFFC180  }
0xea: {  	[tilespmem:s25], [sflag:$0x2] =	stream.indirect.gather [hbm4b:s0+s29], $0x80, s9, s29, $0xb8;
	[tilespmem:$0x1F480] =	vst v63  }
0xeb: {  	s10 =	simm.s32 $0x2880  }
0xec: {  	[spmem:s3] =	stream.indirect.scatter.add.f32 [tilespmem:s30], [sflag:$0x4], $0x80, s10, s29, $0xb8;
	[tilespmem:$0x1F480] =	vst v63  }
0xed: {  	_ =	swait.ge [sflag:s31], $0x3E80  }
0xee: {  	s8 =	simm.s32 $0x400;
	[sflag:s31] =	ssyncset.done $0x0  }
.LBB2_8:
0xef: {  	p2 =	sne.s32 s8, $0x4800  }
0xf0: {  	[sflag:s31] =	ssyncadd.s32 $0xFFFFC180;
	s9 =	smov.u32 s8;
	s8 =	sadd.s32 $0x400, s8  }
0xf1: {  	_ = 	snop  }
0xf2: {  	_ =	swait.ge [sflag:s26], $0x3E80  }
0xf3: {  	s9 =	sshra.s32 s9, $0x2;
	[sflag:s26] =	ssyncset.done $0x0  }
0xf4: {  	s10 =	sadd.s32 $0x1480, s9;
	[sflag:s26] =	ssyncadd.s32 $0xFFFFC180  }
0xf5: {  	[tilespmem:s30], [sflag:$0x3] =	stream.indirect.gather [hbm4b:s0+s29], $0x80, s10, s29, $0xb8;
	[tilespmem:$0x1F480] =	vst v63  }
0xf6: {  	s10 =	sadd.s32 $0x2800, s9  }
0xf7: {  	[spmem:s3] =	stream.indirect.scatter.add.f32 [tilespmem:s25], [sflag:$0x4], $0x80, s10, s29, $0xb8;
	[tilespmem:$0x1F480] =	vst v63  }
0xf8: {  	_ =	swait.ge [sflag:s31], $0x3E80  }
0xf9: {  	[sflag:s31] =	ssyncset.done $0x0  }
0xfa: {  	[sflag:s31] =	ssyncadd.s32 $0xFFFFC180  }
0xfb: {  	_ =	swait.ge [sflag:s2], $0x3E80  }
0xfc: {  	[sflag:s2] =	ssyncset.done $0x0  }
0xfd: {  	s10 =	sadd.s32 $0x1500, s9;
	[sflag:s2] =	ssyncadd.s32 $0xFFFFC180  }
0xfe: {  	[tilespmem:s25], [sflag:$0x2] =	stream.indirect.gather [hbm4b:s0+s29], $0x80, s10, s29, $0xb8;
	[tilespmem:$0x1F480] =	vst v63  }
.Ltmp3:
0xff: {  	_ = 	snop;
	(pc) =	sbr.rel @p2 .LBB2_8-.Ltmp3, $4  }
0x100: {  	s9 =	sadd.s32 $0x2880, s9  }
0x101: {  	[spmem:s3] =	stream.indirect.scatter.add.f32 [tilespmem:s30], [sflag:$0x4], $0x80, s9, s29, $0xb8;
	[tilespmem:$0x1F480] =	vst v63  }
0x102: {  	_ =	swait.ge [sflag:s31], $0x3E80  }
0x103: {  	[sflag:s31] =	ssyncset.done $0x0  }
0x104: {  	[sflag:s31] =	ssyncadd.s32 $0xFFFFC180  }
0x105: {  	_ =	swait.ge [sflag:s26], $0x3E80  }
0x106: {  	[sflag:s26] =	ssyncset.done $0x0  }
0x107: {  	s8 =	simm.s32 $0x2780;
	[sflag:s26] =	ssyncadd.s32 $0xFFFFC180  }
0x108: {  	[tilespmem:s30], [sflag:$0x3] =	stream.indirect.gather [hbm4b:s0+s29], $0x80, s8, s29, $0xb8;
	[tilespmem:$0x1F480] =	vst v63  }
0x109: {  	_ = 	snop  }
0x10a: {  	[spmem:s3] =	stream.indirect.scatter.add.f32 [tilespmem:s25], [sflag:$0x4], $0x80, s1, s29, $0xb8;
	[tilespmem:$0x1F480] =	vst v63  }
0x10b: {  	_ =	swait.ge [sflag:s31], $0x3E80  }
0x10c: {  	[sflag:s31] =	ssyncset.done $0x0  }
0x10d: {  	[sflag:s31] =	ssyncadd.s32 $0xFFFFC180  }
0x10e: {  	_ =	swait.ge [sflag:s2], $0x3E80  }
0x10f: {  	[sflag:s2] =	ssyncset.done $0x0  }
0x110: {  	[sflag:s2] =	ssyncadd.s32 $0xFFFFC180  }
0x111: {  	[spmem:s3] =	stream.indirect.scatter.add.f32 [tilespmem:s30], [sflag:$0x4], $0x80, s4, s29, $0xb8;
	[tilespmem:$0x1F480] =	vst v63  }
0x112: {  	_ =	swait.ge [sflag:s31], $0x3E80  }
0x113: {  	[sflag:s31] =	ssyncset.done $0x0  }
0x114: {  	[sflag:s31] =	ssyncadd.s32 $0xFFFFC180  }
0x115: {  	[bflag:$0x0] =	sbarrier.arrive $0xFFFF  }
0x116: {  	s9 =	rddreg [dreg:$0xb]  }
0x117: {  	s8 =	simm.s32 @p0 $0x1FC4;
	s10 =	rddreg [dreg:$0x19]  }
0x118: {  	[hbm:s9], [sflag:s8] =	dma.local @p0 [spmem:s10], $0x2800  }
0x119: {  	s8 =	simm.s32 @p0 $0x4  }
0x11a: {  	s9 =	stileid.u32;
	_ =	swait.ge @p0 [sflag:s8], $0x2800  }
0x11b: {  	s9 =	sshll.u32 @!p0 s9, $0x6;
	[sflag:s8] =	ssyncset.done @p0 $0x0;
	s10 =	rddreg [dreg:$0xa]  }
0x11c: {  	[sflag:s8] =	ssyncadd.s32 @p0 $0xFFFFD800;
	s8 =	sor.u32 @!p0 $0x1C04, s9;
	s9 =	sshrl.u32 @!p0 s7, $0x3  }
0x11d: {  	[hbm:s10], [sflag:s8] =	dma.local @!p0 [spmem:s9], $0x2700  }
0x11e: {  	s8 =	simm.s32 @!p0 $0x4  }
0x11f: {  	_ =	swait.ge @!p0 [sflag:s8], $0x2700  }
0x120: {  	s5 =	sadd.s32 $0x1, s5;
	s10 =	rddreg [dreg:$0xc]  }
0x121: {  	p2 =	sne.s32 s5, s10  }
.Ltmp4:
0x122: {  	_ = 	snop;
	(pc) =	sbr.rel @p2 .LBB2_1-.Ltmp4, $3  }
0x123: {  	_ =	sdelay $0x1  }
0x124: {  	[sflag:s8] =	ssyncset.done @!p0 $0x0  }
0x125: {  	[sflag:s8] =	ssyncadd.s32 @!p0 $0xFFFFD900  }
0x126: {  	_ =	sfence.sel $0x180000  }
0x127: {  	[bflag:$0x0] =	sbarrier.arrive $0xFFFF  }
0x128: {  	_ =	strace $0x90000047  }
0x129: {  	s0 =	stileid.u32;
	[bflag:$0x2] =	sbarrier.arrive $0xFFFF  }
0x12a: {  	p0 =	sne.s32 s0, $0x0;
	s0 =	rddreg [dreg:$0x5]  }
0x12b: {  	s0 =	sadd.s32 @!p0 $0x100000, s0  }
0x12c: {  	[sflag:s0] =	ssyncadd.tile.s32 @!p0 $0x1;
	_ =	shalt  }
.Lfunc_end2:
_tile_overlayer_lowered:
.L_overlay_start_2:
0x12d: {  	(tag) =	ssettag $0x2  }
0x12e: {  	s0 =	rddreg [dreg:$0x0];
	s2 =	stileid.u32  }
0x12f: {  	s1 =	rddreg [dreg:$0x1];
	p0 =	sne.s32 s2, $0x0  }
0x130: {  	s3 =	rddreg [dreg:$0x2];
	[bflag:$0x3] =	sbarrier.arrive $0xFFFF;
	s2 =	simm.s32 @!p0 $0x1C04  }
0x131: {  	[timem:s3], [sflag:s2] =	dma.local @!p0 [hbm:s0], s1  }
0x132: {  	s0 =	simm.s32 @!p0 $0x4  }
0x133: {  	_ =	swait.ge @!p0 [sflag:s0], s1  }
0x134: {  	s1 =	ssub.s32 @!p0 $0x0, s1;
	[sflag:s0] =	ssyncset.done @!p0 $0x0  }
0x135: {  	[sflag:s0] =	ssyncadd.s32 @!p0 s1  }
0x136: {  	[bflag:$0x3] =	sbarrier.arrive $0xFFFF  }
0x137: {  	_ =	shalt  }

</sc_bundles>
